<compile_context>
chip_gen: v7x
topology: tpu7x:2x2x1
jax: 0.10.2.dev20260603
libtpu: 0.0.44.dev20260713+nightly
codegen_flags: <defaults>
</compile_context>

<pallas_src>
import functools

import jax
import jax.numpy as jnp
from jax import lax
from jax.experimental import pallas as pl
from jax.experimental.pallas import tpu as pltpu
from jax.experimental.pallas import tpu_sc as plsc

_BATCH = 16384
_L = 50
_EMB = 128
_TOT = _BATCH * _L
_NW = 32
_PER_W = _TOT // _NW
_G = 128
_NCH = _PER_W // _G
_NBUF = 4


def _make_gather():
    mesh = plsc.VectorSubcoreMesh(core_axis_name="c", subcore_axis_name="s")

    @functools.partial(
        pl.kernel,
        out_type=jax.ShapeDtypeStruct((_TOT, _EMB), jnp.float32),
        mesh=mesh,
        scratch_types=[
            pltpu.VMEM((_NCH, _G), jnp.int32),
            pltpu.VMEM((_NBUF, _G, _EMB), jnp.float32),
        ] + [pltpu.SemaphoreType.DMA] * (2 * _NBUF),
    )
    def gather_kernel(idx_hbm, table_hbm, out_hbm, idx_v, rows_v, *sems):
        gsem = sems[:_NBUF]
        ssem = sems[_NBUF:]
        wid = lax.axis_index("s") * 2 + lax.axis_index("c")
        base = wid * _PER_W
        pltpu.sync_copy(idx_hbm.at[wid], idx_v)

        def start_gather(j, b):
            pltpu.async_copy(table_hbm.at[idx_v.at[j]], rows_v.at[b], gsem[b])

        def start_store(j, b):
            pltpu.async_copy(
                rows_v.at[b], out_hbm.at[pl.ds(base + j * _G, _G)], ssem[b])

        def wait_gather(b):
            pltpu.make_async_copy(
                table_hbm.at[pl.ds(0, _G)], rows_v.at[b], gsem[b]).wait()

        def wait_store(j, b):
            pltpu.make_async_copy(
                rows_v.at[b], out_hbm.at[pl.ds(base + j * _G, _G)],
                ssem[b]).wait()

        for b in range(_NBUF):
            start_gather(b, b)

        def body(t, carry):
            j0 = t * _NBUF
            for b in range(_NBUF):
                wait_gather(b)
                start_store(j0 + b, b)
            for b in range(_NBUF):
                wait_store(j0 + b, b)
                start_gather(j0 + b + _NBUF, b)
            return carry

        lax.fori_loop(0, _NCH // _NBUF - 1, body, 0)

        j0 = _NCH - _NBUF
        for b in range(_NBUF):
            wait_gather(b)
            start_store(j0 + b, b)
        for b in range(_NBUF):
            wait_store(j0 + b, b)

    return gather_kernel


_gather = _make_gather()

def kernel(data, ivectors_weight):
    idx = data.astype(jnp.int32).T.reshape(_NW, _NCH, _G)
    flat = _gather(idx, ivectors_weight)
    return flat.reshape(_L, _BATCH, _EMB).transpose(1, 0, 2)

# --- scband reference (transcript-rebuilt; emitter-appended) ---
"""Pipeline reference for scband-word2-vec-16003048145069 (READ-ONLY COPY).

The authoritative reference and input builder live on the scoring server;
editing this copy changes nothing except your own understanding.
"""

import jax, jax.numpy as jnp
import numpy as np

VOCAB = 100000
EMB = 128
B = 16384
L = 50


def setup_inputs(seed: int = 0) -> dict:
    key = jax.random.key(seed)
    k1, k2 = jax.random.split(key)
    data = jax.random.randint(k1, (B, L), 0, VOCAB, dtype=jnp.int64)
    # nn.Embedding weight initialized uniform(-0.5/emb, 0.5/emb)
    ivectors_weight = jax.random.uniform(
        k2, (VOCAB, EMB), dtype=jnp.float32,
        minval=-0.5 / EMB, maxval=0.5 / EMB)
    return {"data": data, "ivectors_weight": ivectors_weight}


def reference(data, ivectors_weight):
    # Word2Vec.forward with is_input=True -> input_vectors(data) -> ivectors(data)
    vecs = jnp.take(ivectors_weight, data, axis=0)
    return vecs

if __name__ == "__main__":
    import jax
    _d = setup_inputs()
    print(jax.jit(kernel)(*tuple(_d.values())))

</pallas_src>

<mosaic_0001>
#map = affine_map<(d0, d1) -> (0, 0, 0)>
#map1 = affine_map<(d0, d1) -> (0, 0)>
module attributes {stable_mosaic.version = 14 : i64} {
  func.func @gather_kernel(%arg0: i32, %arg1: i32, %arg2: memref<32x200x128xi32, #tpu.memory_space<hbm>>, %arg3: memref<100000x128xf32, #tpu.memory_space<hbm>>, %arg4: memref<819200x128xf32, #tpu.memory_space<hbm>>, %arg5: memref<200x128xi32, #tpu.memory_space<vmem>>, %arg6: memref<4x128x128xf32, #tpu.memory_space<vmem>>, %arg7: memref<!tpu.dma_semaphore, #tpu.memory_space<semaphore_mem>>, %arg8: memref<!tpu.dma_semaphore, #tpu.memory_space<semaphore_mem>>, %arg9: memref<!tpu.dma_semaphore, #tpu.memory_space<semaphore_mem>>, %arg10: memref<!tpu.dma_semaphore, #tpu.memory_space<semaphore_mem>>, %arg11: memref<!tpu.dma_semaphore, #tpu.memory_space<semaphore_mem>>, %arg12: memref<!tpu.dma_semaphore, #tpu.memory_space<semaphore_mem>>, %arg13: memref<!tpu.dma_semaphore, #tpu.memory_space<semaphore_mem>>, %arg14: memref<!tpu.dma_semaphore, #tpu.memory_space<semaphore_mem>>) attributes {dimension_semantics = [#tpu.dimension_semantics<core_parallel>, #tpu.dimension_semantics<subcore_parallel>], iteration_bounds = array<i64: 2, 16>, scalar_prefetch = 0 : i64, scratch_operands = 10 : i64, tpu.core_type = #tpu.core_type<sc_vector_subcore>, window_params = [{transform_indices = #map}, {transform_indices = #map1}, {transform_indices = #map1}]} {
    %mul3A = arith.constant 2 : i32
    %mul3A_0 = arith.muli %arg1, %mul3A : i32
    %add3A = arith.addi %mul3A_0, %arg0 : i32
    %mul3A_1 = arith.constant 25600 : i32
    %mul3A_2 = arith.muli %add3A, %mul3A_1 : i32
    "tpu.region"() ({
      %run_scoped3A = tpu.sem_alloc : memref<!tpu.dma_semaphore, #tpu.memory_space<semaphore_mem>>
      %dma_start3A_234 = arith.constant 0 : i32
      %dma_start3A_235 = arith.constant 0 : i32
      %dma_start3A_236 = tpu.memref_slice %arg2[%add3A, %dma_start3A_234, %dma_start3A_235] : memref<32x200x128xi32, #tpu.memory_space<hbm>> -> memref<1x200x128xi32, #tpu.memory_space<hbm>>
      %dma_start3A_237 = tpu.memref_squeeze %dma_start3A_236 : memref<1x200x128xi32, #tpu.memory_space<hbm>> -> memref<200x128xi32, #tpu.memory_space<hbm>>
      %dma_start3A_238 = arith.constant 0 : i32
      %dma_start3A_239 = arith.constant 0 : i32
      %dma_start3A_240 = tpu.memref_slice %arg2[%add3A, %dma_start3A_238, %dma_start3A_239] : memref<32x200x128xi32, #tpu.memory_space<hbm>> -> memref<1x200x128xi32, #tpu.memory_space<hbm>>
      %dma_start3A_241 = tpu.memref_squeeze %dma_start3A_240 : memref<1x200x128xi32, #tpu.memory_space<hbm>> -> memref<200x128xi32, #tpu.memory_space<hbm>>
      tpu.enqueue_dma source(%dma_start3A_241 : memref<200x128xi32, #tpu.memory_space<hbm>>) target(%arg5 : memref<200x128xi32, #tpu.memory_space<vmem>>) target_semaphore(%run_scoped3A : memref<!tpu.dma_semaphore, #tpu.memory_space<semaphore_mem>>)
      %dma_wait3A_242 = arith.constant 0 : i32
      %dma_wait3A_243 = arith.constant 0 : i32
      %dma_wait3A_244 = tpu.memref_slice %arg2[%add3A, %dma_wait3A_242, %dma_wait3A_243] : memref<32x200x128xi32, #tpu.memory_space<hbm>> -> memref<1x200x128xi32, #tpu.memory_space<hbm>>
      %dma_wait3A_245 = tpu.memref_squeeze %dma_wait3A_244 : memref<1x200x128xi32, #tpu.memory_space<hbm>> -> memref<200x128xi32, #tpu.memory_space<hbm>>
      %dma_wait3A_246 = arith.constant 0 : i32
      %dma_wait3A_247 = arith.constant 0 : i32
      %dma_wait3A_248 = tpu.memref_slice %arg2[%add3A, %dma_wait3A_246, %dma_wait3A_247] : memref<32x200x128xi32, #tpu.memory_space<hbm>> -> memref<1x200x128xi32, #tpu.memory_space<hbm>>
      %dma_wait3A_249 = tpu.memref_squeeze %dma_wait3A_248 : memref<1x200x128xi32, #tpu.memory_space<hbm>> -> memref<200x128xi32, #tpu.memory_space<hbm>>
      tpu.wait_dma2 semaphore(%run_scoped3A : memref<!tpu.dma_semaphore, #tpu.memory_space<semaphore_mem>>) src(%dma_wait3A_249 : memref<200x128xi32, #tpu.memory_space<hbm>>) dst(%arg5 : memref<200x128xi32, #tpu.memory_space<vmem>>)
      tpu.yield
    }) : () -> ()
    %dma_start3A = arith.constant 0 : i32
    %dma_start3A_3 = arith.constant 0 : i32
    %dma_start3A_4 = arith.constant 0 : i32
    %dma_start3A_5 = arith.constant 0 : i32
    %dma_start3A_6 = tpu.memref_slice %arg6[%dma_start3A_3, %dma_start3A_4, %dma_start3A_5] : memref<4x128x128xf32, #tpu.memory_space<vmem>> -> memref<1x128x128xf32, #tpu.memory_space<vmem>>
    %dma_start3A_7 = tpu.memref_squeeze %dma_start3A_6 : memref<1x128x128xf32, #tpu.memory_space<vmem>> -> memref<128x128xf32, #tpu.memory_space<vmem>>
    %dma_start3A_8 = arith.constant 0 : i32
    %dma_start3A_9 = tpu.memref_slice %arg5[%dma_start3A, %dma_start3A_8] : memref<200x128xi32, #tpu.memory_space<vmem>> -> memref<1x128xi32, #tpu.memory_space<vmem>>
    %dma_start3A_10 = tpu.memref_squeeze %dma_start3A_9 : memref<1x128xi32, #tpu.memory_space<vmem>> -> memref<128xi32, #tpu.memory_space<vmem>>
    %dma_start3A_11 = arith.constant 0 : i32
    %dma_start3A_12 = arith.constant 0 : i32
    %dma_start3A_13 = tpu.memref_slice %arg3[%dma_start3A_11, %dma_start3A_12] : memref<100000x128xf32, #tpu.memory_space<hbm>> -> memref<100000x128xf32, #tpu.memory_space<hbm>>
    tpu.enqueue_indirect_dma source(%dma_start3A_13 : memref<100000x128xf32, #tpu.memory_space<hbm>>) target(%dma_start3A_7 : memref<128x128xf32, #tpu.memory_space<vmem>>) offsets(%dma_start3A_10 : memref<128xi32, #tpu.memory_space<vmem>>) semaphore(%arg7 : memref<!tpu.dma_semaphore, #tpu.memory_space<semaphore_mem>>)
    %dma_start3A_14 = arith.constant 1 : i32
    %dma_start3A_15 = arith.constant 1 : i32
    %dma_start3A_16 = arith.constant 0 : i32
    %dma_start3A_17 = arith.constant 0 : i32
    %dma_start3A_18 = tpu.memref_slice %arg6[%dma_start3A_15, %dma_start3A_16, %dma_start3A_17] : memref<4x128x128xf32, #tpu.memory_space<vmem>> -> memref<1x128x128xf32, #tpu.memory_space<vmem>>
    %dma_start3A_19 = tpu.memref_squeeze %dma_start3A_18 : memref<1x128x128xf32, #tpu.memory_space<vmem>> -> memref<128x128xf32, #tpu.memory_space<vmem>>
    %dma_start3A_20 = arith.constant 0 : i32
    %dma_start3A_21 = tpu.memref_slice %arg5[%dma_start3A_14, %dma_start3A_20] : memref<200x128xi32, #tpu.memory_space<vmem>> -> memref<1x128xi32, #tpu.memory_space<vmem>>
    %dma_start3A_22 = tpu.memref_squeeze %dma_start3A_21 : memref<1x128xi32, #tpu.memory_space<vmem>> -> memref<128xi32, #tpu.memory_space<vmem>>
    %dma_start3A_23 = arith.constant 0 : i32
    %dma_start3A_24 = arith.constant 0 : i32
    %dma_start3A_25 = tpu.memref_slice %arg3[%dma_start3A_23, %dma_start3A_24] : memref<100000x128xf32, #tpu.memory_space<hbm>> -> memref<100000x128xf32, #tpu.memory_space<hbm>>
    tpu.enqueue_indirect_dma source(%dma_start3A_25 : memref<100000x128xf32, #tpu.memory_space<hbm>>) target(%dma_start3A_19 : memref<128x128xf32, #tpu.memory_space<vmem>>) offsets(%dma_start3A_22 : memref<128xi32, #tpu.memory_space<vmem>>) semaphore(%arg8 : memref<!tpu.dma_semaphore, #tpu.memory_space<semaphore_mem>>)
    %dma_start3A_26 = arith.constant 2 : i32
    %dma_start3A_27 = arith.constant 2 : i32
    %dma_start3A_28 = arith.constant 0 : i32
    %dma_start3A_29 = arith.constant 0 : i32
    %dma_start3A_30 = tpu.memref_slice %arg6[%dma_start3A_27, %dma_start3A_28, %dma_start3A_29] : memref<4x128x128xf32, #tpu.memory_space<vmem>> -> memref<1x128x128xf32, #tpu.memory_space<vmem>>
    %dma_start3A_31 = tpu.memref_squeeze %dma_start3A_30 : memref<1x128x128xf32, #tpu.memory_space<vmem>> -> memref<128x128xf32, #tpu.memory_space<vmem>>
    %dma_start3A_32 = arith.constant 0 : i32
    %dma_start3A_33 = tpu.memref_slice %arg5[%dma_start3A_26, %dma_start3A_32] : memref<200x128xi32, #tpu.memory_space<vmem>> -> memref<1x128xi32, #tpu.memory_space<vmem>>
    %dma_start3A_34 = tpu.memref_squeeze %dma_start3A_33 : memref<1x128xi32, #tpu.memory_space<vmem>> -> memref<128xi32, #tpu.memory_space<vmem>>
    %dma_start3A_35 = arith.constant 0 : i32
    %dma_start3A_36 = arith.constant 0 : i32
    %dma_start3A_37 = tpu.memref_slice %arg3[%dma_start3A_35, %dma_start3A_36] : memref<100000x128xf32, #tpu.memory_space<hbm>> -> memref<100000x128xf32, #tpu.memory_space<hbm>>
    tpu.enqueue_indirect_dma source(%dma_start3A_37 : memref<100000x128xf32, #tpu.memory_space<hbm>>) target(%dma_start3A_31 : memref<128x128xf32, #tpu.memory_space<vmem>>) offsets(%dma_start3A_34 : memref<128xi32, #tpu.memory_space<vmem>>) semaphore(%arg9 : memref<!tpu.dma_semaphore, #tpu.memory_space<semaphore_mem>>)
    %dma_start3A_38 = arith.constant 3 : i32
    %dma_start3A_39 = arith.constant 3 : i32
    %dma_start3A_40 = arith.constant 0 : i32
    %dma_start3A_41 = arith.constant 0 : i32
    %dma_start3A_42 = tpu.memref_slice %arg6[%dma_start3A_39, %dma_start3A_40, %dma_start3A_41] : memref<4x128x128xf32, #tpu.memory_space<vmem>> -> memref<1x128x128xf32, #tpu.memory_space<vmem>>
    %dma_start3A_43 = tpu.memref_squeeze %dma_start3A_42 : memref<1x128x128xf32, #tpu.memory_space<vmem>> -> memref<128x128xf32, #tpu.memory_space<vmem>>
    %dma_start3A_44 = arith.constant 0 : i32
    %dma_start3A_45 = tpu.memref_slice %arg5[%dma_start3A_38, %dma_start3A_44] : memref<200x128xi32, #tpu.memory_space<vmem>> -> memref<1x128xi32, #tpu.memory_space<vmem>>
    %dma_start3A_46 = tpu.memref_squeeze %dma_start3A_45 : memref<1x128xi32, #tpu.memory_space<vmem>> -> memref<128xi32, #tpu.memory_space<vmem>>
    %dma_start3A_47 = arith.constant 0 : i32
    %dma_start3A_48 = arith.constant 0 : i32
    %dma_start3A_49 = tpu.memref_slice %arg3[%dma_start3A_47, %dma_start3A_48] : memref<100000x128xf32, #tpu.memory_space<hbm>> -> memref<100000x128xf32, #tpu.memory_space<hbm>>
    tpu.enqueue_indirect_dma source(%dma_start3A_49 : memref<100000x128xf32, #tpu.memory_space<hbm>>) target(%dma_start3A_43 : memref<128x128xf32, #tpu.memory_space<vmem>>) offsets(%dma_start3A_46 : memref<128xi32, #tpu.memory_space<vmem>>) semaphore(%arg10 : memref<!tpu.dma_semaphore, #tpu.memory_space<semaphore_mem>>)
    %scan3A = arith.constant 0 : i32
    %scan3A_50 = arith.constant 0 : i32
    %scan3A_51 = arith.constant 49 : i32
    %scan3A_52 = arith.addi %scan3A_50, %scan3A_51 : i32
    %scan3A_53 = arith.constant 1 : i32
    scf.for %scan3A_234 = %scan3A_50 to %scan3A_52 step %scan3A_53  : i32 {
      %mul3A_235 = arith.constant 4 : i32
      %mul3A_236 = arith.muli %scan3A_234, %mul3A_235 : i32
      %dma_wait3A_237 = arith.constant 0 : i32
      %dma_wait3A_238 = arith.constant 0 : i32
      %dma_wait3A_239 = arith.constant 0 : i32
      %dma_wait3A_240 = tpu.memref_slice %arg6[%dma_wait3A_237, %dma_wait3A_238, %dma_wait3A_239] : memref<4x128x128xf32, #tpu.memory_space<vmem>> -> memref<1x128x128xf32, #tpu.memory_space<vmem>>
      %dma_wait3A_241 = tpu.memref_squeeze %dma_wait3A_240 : memref<1x128x128xf32, #tpu.memory_space<vmem>> -> memref<128x128xf32, #tpu.memory_space<vmem>>
      %dma_wait3A_242 = arith.constant 0 : i32
      %dma_wait3A_243 = arith.constant 0 : i32
      %dma_wait3A_244 = tpu.memref_slice %arg3[%dma_wait3A_242, %dma_wait3A_243] : memref<100000x128xf32, #tpu.memory_space<hbm>> -> memref<128x128xf32, #tpu.memory_space<hbm>>
      %dma_wait3A_245 = arith.constant 0 : i32
      %dma_wait3A_246 = arith.constant 0 : i32
      %dma_wait3A_247 = tpu.memref_slice %arg6[%dma_wait3A_237, %dma_wait3A_245, %dma_wait3A_246] : memref<4x128x128xf32, #tpu.memory_space<vmem>> -> memref<1x128x128xf32, #tpu.memory_space<vmem>>
      %dma_wait3A_248 = tpu.memref_squeeze %dma_wait3A_247 : memref<1x128x128xf32, #tpu.memory_space<vmem>> -> memref<128x128xf32, #tpu.memory_space<vmem>>
      %dma_wait3A_249 = arith.constant 0 : i32
      %dma_wait3A_250 = arith.constant 0 : i32
      %dma_wait3A_251 = tpu.memref_slice %arg3[%dma_wait3A_249, %dma_wait3A_250] : memref<100000x128xf32, #tpu.memory_space<hbm>> -> memref<128x128xf32, #tpu.memory_space<hbm>>
      tpu.wait_dma2 semaphore(%arg7 : memref<!tpu.dma_semaphore, #tpu.memory_space<semaphore_mem>>) src(%dma_wait3A_251 : memref<128x128xf32, #tpu.memory_space<hbm>>) dst(%dma_wait3A_248 : memref<128x128xf32, #tpu.memory_space<vmem>>)
      %add3A_252 = arith.constant 0 : i32
      %add3A_253 = arith.addi %mul3A_236, %add3A_252 : i32
      %mul3A_254 = arith.constant 128 : i32
      %mul3A_255 = arith.muli %add3A_253, %mul3A_254 : i32
      %add3A_256 = arith.addi %mul3A_2, %mul3A_255 : i32
      %dma_start3A_257 = arith.constant 0 : i32
      %dma_start3A_258 = arith.constant 0 : i32
      %dma_start3A_259 = arith.constant 0 : i32
      %dma_start3A_260 = tpu.memref_slice %arg6[%dma_start3A_257, %dma_start3A_258, %dma_start3A_259] : memref<4x128x128xf32, #tpu.memory_space<vmem>> -> memref<1x128x128xf32, #tpu.memory_space<vmem>>
      %dma_start3A_261 = tpu.memref_squeeze %dma_start3A_260 : memref<1x128x128xf32, #tpu.memory_space<vmem>> -> memref<128x128xf32, #tpu.memory_space<vmem>>
      %dma_start3A_262 = arith.constant 0 : i32
      %dma_start3A_263 = tpu.memref_slice %arg4[%add3A_256, %dma_start3A_262] : memref<819200x128xf32, #tpu.memory_space<hbm>> -> memref<128x128xf32, #tpu.memory_space<hbm>>
      %dma_start3A_264 = arith.constant 0 : i32
      %dma_start3A_265 = tpu.memref_slice %arg4[%add3A_256, %dma_start3A_264] : memref<819200x128xf32, #tpu.memory_space<hbm>> -> memref<128x128xf32, #tpu.memory_space<hbm>>
      %dma_start3A_266 = arith.constant 0 : i32
      %dma_start3A_267 = arith.constant 0 : i32
      %dma_start3A_268 = tpu.memref_slice %arg6[%dma_start3A_257, %dma_start3A_266, %dma_start3A_267] : memref<4x128x128xf32, #tpu.memory_space<vmem>> -> memref<1x128x128xf32, #tpu.memory_space<vmem>>
      %dma_start3A_269 = tpu.memref_squeeze %dma_start3A_268 : memref<1x128x128xf32, #tpu.memory_space<vmem>> -> memref<128x128xf32, #tpu.memory_space<vmem>>
      tpu.enqueue_dma source(%dma_start3A_269 : memref<128x128xf32, #tpu.memory_space<vmem>>) target(%dma_start3A_265 : memref<128x128xf32, #tpu.memory_space<hbm>>) target_semaphore(%arg11 : memref<!tpu.dma_semaphore, #tpu.memory_space<semaphore_mem>>)
      %dma_wait3A_270 = arith.constant 1 : i32
      %dma_wait3A_271 = arith.constant 0 : i32
      %dma_wait3A_272 = arith.constant 0 : i32
      %dma_wait3A_273 = tpu.memref_slice %arg6[%dma_wait3A_270, %dma_wait3A_271, %dma_wait3A_272] : memref<4x128x128xf32, #tpu.memory_space<vmem>> -> memref<1x128x128xf32, #tpu.memory_space<vmem>>
      %dma_wait3A_274 = tpu.memref_squeeze %dma_wait3A_273 : memref<1x128x128xf32, #tpu.memory_space<vmem>> -> memref<128x128xf32, #tpu.memory_space<vmem>>
      %dma_wait3A_275 = arith.constant 0 : i32
      %dma_wait3A_276 = arith.constant 0 : i32
      %dma_wait3A_277 = tpu.memref_slice %arg3[%dma_wait3A_275, %dma_wait3A_276] : memref<100000x128xf32, #tpu.memory_space<hbm>> -> memref<128x128xf32, #tpu.memory_space<hbm>>
      %dma_wait3A_278 = arith.constant 0 : i32
      %dma_wait3A_279 = arith.constant 0 : i32
      %dma_wait3A_280 = tpu.memref_slice %arg6[%dma_wait3A_270, %dma_wait3A_278, %dma_wait3A_279] : memref<4x128x128xf32, #tpu.memory_space<vmem>> -> memref<1x128x128xf32, #tpu.memory_space<vmem>>
      %dma_wait3A_281 = tpu.memref_squeeze %dma_wait3A_280 : memref<1x128x128xf32, #tpu.memory_space<vmem>> -> memref<128x128xf32, #tpu.memory_space<vmem>>
      %dma_wait3A_282 = arith.constant 0 : i32
      %dma_wait3A_283 = arith.constant 0 : i32
      %dma_wait3A_284 = tpu.memref_slice %arg3[%dma_wait3A_282, %dma_wait3A_283] : memref<100000x128xf32, #tpu.memory_space<hbm>> -> memref<128x128xf32, #tpu.memory_space<hbm>>
      tpu.wait_dma2 semaphore(%arg8 : memref<!tpu.dma_semaphore, #tpu.memory_space<semaphore_mem>>) src(%dma_wait3A_284 : memref<128x128xf32, #tpu.memory_space<hbm>>) dst(%dma_wait3A_281 : memref<128x128xf32, #tpu.memory_space<vmem>>)
      %add3A_285 = arith.constant 1 : i32
      %add3A_286 = arith.addi %mul3A_236, %add3A_285 : i32
      %mul3A_287 = arith.constant 128 : i32
      %mul3A_288 = arith.muli %add3A_286, %mul3A_287 : i32
      %add3A_289 = arith.addi %mul3A_2, %mul3A_288 : i32
      %dma_start3A_290 = arith.constant 1 : i32
      %dma_start3A_291 = arith.constant 0 : i32
      %dma_start3A_292 = arith.constant 0 : i32
      %dma_start3A_293 = tpu.memref_slice %arg6[%dma_start3A_290, %dma_start3A_291, %dma_start3A_292] : memref<4x128x128xf32, #tpu.memory_space<vmem>> -> memref<1x128x128xf32, #tpu.memory_space<vmem>>
      %dma_start3A_294 = tpu.memref_squeeze %dma_start3A_293 : memref<1x128x128xf32, #tpu.memory_space<vmem>> -> memref<128x128xf32, #tpu.memory_space<vmem>>
      %dma_start3A_295 = arith.constant 0 : i32
      %dma_start3A_296 = tpu.memref_slice %arg4[%add3A_289, %dma_start3A_295] : memref<819200x128xf32, #tpu.memory_space<hbm>> -> memref<128x128xf32, #tpu.memory_space<hbm>>
      %dma_start3A_297 = arith.constant 0 : i32
      %dma_start3A_298 = tpu.memref_slice %arg4[%add3A_289, %dma_start3A_297] : memref<819200x128xf32, #tpu.memory_space<hbm>> -> memref<128x128xf32, #tpu.memory_space<hbm>>
      %dma_start3A_299 = arith.constant 0 : i32
      %dma_start3A_300 = arith.constant 0 : i32
      %dma_start3A_301 = tpu.memref_slice %arg6[%dma_start3A_290, %dma_start3A_299, %dma_start3A_300] : memref<4x128x128xf32, #tpu.memory_space<vmem>> -> memref<1x128x128xf32, #tpu.memory_space<vmem>>
      %dma_start3A_302 = tpu.memref_squeeze %dma_start3A_301 : memref<1x128x128xf32, #tpu.memory_space<vmem>> -> memref<128x128xf32, #tpu.memory_space<vmem>>
      tpu.enqueue_dma source(%dma_start3A_302 : memref<128x128xf32, #tpu.memory_space<vmem>>) target(%dma_start3A_298 : memref<128x128xf32, #tpu.memory_space<hbm>>) target_semaphore(%arg12 : memref<!tpu.dma_semaphore, #tpu.memory_space<semaphore_mem>>)
      %dma_wait3A_303 = arith.constant 2 : i32
      %dma_wait3A_304 = arith.constant 0 : i32
      %dma_wait3A_305 = arith.constant 0 : i32
      %dma_wait3A_306 = tpu.memref_slice %arg6[%dma_wait3A_303, %dma_wait3A_304, %dma_wait3A_305] : memref<4x128x128xf32, #tpu.memory_space<vmem>> -> memref<1x128x128xf32, #tpu.memory_space<vmem>>
      %dma_wait3A_307 = tpu.memref_squeeze %dma_wait3A_306 : memref<1x128x128xf32, #tpu.memory_space<vmem>> -> memref<128x128xf32, #tpu.memory_space<vmem>>
      %dma_wait3A_308 = arith.constant 0 : i32
      %dma_wait3A_309 = arith.constant 0 : i32
      %dma_wait3A_310 = tpu.memref_slice %arg3[%dma_wait3A_308, %dma_wait3A_309] : memref<100000x128xf32, #tpu.memory_space<hbm>> -> memref<128x128xf32, #tpu.memory_space<hbm>>
      %dma_wait3A_311 = arith.constant 0 : i32
      %dma_wait3A_312 = arith.constant 0 : i32
      %dma_wait3A_313 = tpu.memref_slice %arg6[%dma_wait3A_303, %dma_wait3A_311, %dma_wait3A_312] : memref<4x128x128xf32, #tpu.memory_space<vmem>> -> memref<1x128x128xf32, #tpu.memory_space<vmem>>
      %dma_wait3A_314 = tpu.memref_squeeze %dma_wait3A_313 : memref<1x128x128xf32, #tpu.memory_space<vmem>> -> memref<128x128xf32, #tpu.memory_space<vmem>>
      %dma_wait3A_315 = arith.constant 0 : i32
      %dma_wait3A_316 = arith.constant 0 : i32
      %dma_wait3A_317 = tpu.memref_slice %arg3[%dma_wait3A_315, %dma_wait3A_316] : memref<100000x128xf32, #tpu.memory_space<hbm>> -> memref<128x128xf32, #tpu.memory_space<hbm>>
      tpu.wait_dma2 semaphore(%arg9 : memref<!tpu.dma_semaphore, #tpu.memory_space<semaphore_mem>>) src(%dma_wait3A_317 : memref<128x128xf32, #tpu.memory_space<hbm>>) dst(%dma_wait3A_314 : memref<128x128xf32, #tpu.memory_space<vmem>>)
      %add3A_318 = arith.constant 2 : i32
      %add3A_319 = arith.addi %mul3A_236, %add3A_318 : i32
      %mul3A_320 = arith.constant 128 : i32
      %mul3A_321 = arith.muli %add3A_319, %mul3A_320 : i32
      %add3A_322 = arith.addi %mul3A_2, %mul3A_321 : i32
      %dma_start3A_323 = arith.constant 2 : i32
      %dma_start3A_324 = arith.constant 0 : i32
      %dma_start3A_325 = arith.constant 0 : i32
      %dma_start3A_326 = tpu.memref_slice %arg6[%dma_start3A_323, %dma_start3A_324, %dma_start3A_325] : memref<4x128x128xf32, #tpu.memory_space<vmem>> -> memref<1x128x128xf32, #tpu.memory_space<vmem>>
      %dma_start3A_327 = tpu.memref_squeeze %dma_start3A_326 : memref<1x128x128xf32, #tpu.memory_space<vmem>> -> memref<128x128xf32, #tpu.memory_space<vmem>>
      %dma_start3A_328 = arith.constant 0 : i32
      %dma_start3A_329 = tpu.memref_slice %arg4[%add3A_322, %dma_start3A_328] : memref<819200x128xf32, #tpu.memory_space<hbm>> -> memref<128x128xf32, #tpu.memory_space<hbm>>
      %dma_start3A_330 = arith.constant 0 : i32
      %dma_start3A_331 = tpu.memref_slice %arg4[%add3A_322, %dma_start3A_330] : memref<819200x128xf32, #tpu.memory_space<hbm>> -> memref<128x128xf32, #tpu.memory_space<hbm>>
      %dma_start3A_332 = arith.constant 0 : i32
      %dma_start3A_333 = arith.constant 0 : i32
      %dma_start3A_334 = tpu.memref_slice %arg6[%dma_start3A_323, %dma_start3A_332, %dma_start3A_333] : memref<4x128x128xf32, #tpu.memory_space<vmem>> -> memref<1x128x128xf32, #tpu.memory_space<vmem>>
      %dma_start3A_335 = tpu.memref_squeeze %dma_start3A_334 : memref<1x128x128xf32, #tpu.memory_space<vmem>> -> memref<128x128xf32, #tpu.memory_space<vmem>>
      tpu.enqueue_dma source(%dma_start3A_335 : memref<128x128xf32, #tpu.memory_space<vmem>>) target(%dma_start3A_331 : memref<128x128xf32, #tpu.memory_space<hbm>>) target_semaphore(%arg13 : memref<!tpu.dma_semaphore, #tpu.memory_space<semaphore_mem>>)
      %dma_wait3A_336 = arith.constant 3 : i32
      %dma_wait3A_337 = arith.constant 0 : i32
      %dma_wait3A_338 = arith.constant 0 : i32
      %dma_wait3A_339 = tpu.memref_slice %arg6[%dma_wait3A_336, %dma_wait3A_337, %dma_wait3A_338] : memref<4x128x128xf32, #tpu.memory_space<vmem>> -> memref<1x128x128xf32, #tpu.memory_space<vmem>>
      %dma_wait3A_340 = tpu.memref_squeeze %dma_wait3A_339 : memref<1x128x128xf32, #tpu.memory_space<vmem>> -> memref<128x128xf32, #tpu.memory_space<vmem>>
      %dma_wait3A_341 = arith.constant 0 : i32
      %dma_wait3A_342 = arith.constant 0 : i32
      %dma_wait3A_343 = tpu.memref_slice %arg3[%dma_wait3A_341, %dma_wait3A_342] : memref<100000x128xf32, #tpu.memory_space<hbm>> -> memref<128x128xf32, #tpu.memory_space<hbm>>
      %dma_wait3A_344 = arith.constant 0 : i32
      %dma_wait3A_345 = arith.constant 0 : i32
      %dma_wait3A_346 = tpu.memref_slice %arg6[%dma_wait3A_336, %dma_wait3A_344, %dma_wait3A_345] : memref<4x128x128xf32, #tpu.memory_space<vmem>> -> memref<1x128x128xf32, #tpu.memory_space<vmem>>
      %dma_wait3A_347 = tpu.memref_squeeze %dma_wait3A_346 : memref<1x128x128xf32, #tpu.memory_space<vmem>> -> memref<128x128xf32, #tpu.memory_space<vmem>>
      %dma_wait3A_348 = arith.constant 0 : i32
      %dma_wait3A_349 = arith.constant 0 : i32
      %dma_wait3A_350 = tpu.memref_slice %arg3[%dma_wait3A_348, %dma_wait3A_349] : memref<100000x128xf32, #tpu.memory_space<hbm>> -> memref<128x128xf32, #tpu.memory_space<hbm>>
      tpu.wait_dma2 semaphore(%arg10 : memref<!tpu.dma_semaphore, #tpu.memory_space<semaphore_mem>>) src(%dma_wait3A_350 : memref<128x128xf32, #tpu.memory_space<hbm>>) dst(%dma_wait3A_347 : memref<128x128xf32, #tpu.memory_space<vmem>>)
      %add3A_351 = arith.constant 3 : i32
      %add3A_352 = arith.addi %mul3A_236, %add3A_351 : i32
      %mul3A_353 = arith.constant 128 : i32
      %mul3A_354 = arith.muli %add3A_352, %mul3A_353 : i32
      %add3A_355 = arith.addi %mul3A_2, %mul3A_354 : i32
      %dma_start3A_356 = arith.constant 3 : i32
      %dma_start3A_357 = arith.constant 0 : i32
      %dma_start3A_358 = arith.constant 0 : i32
      %dma_start3A_359 = tpu.memref_slice %arg6[%dma_start3A_356, %dma_start3A_357, %dma_start3A_358] : memref<4x128x128xf32, #tpu.memory_space<vmem>> -> memref<1x128x128xf32, #tpu.memory_space<vmem>>
      %dma_start3A_360 = tpu.memref_squeeze %dma_start3A_359 : memref<1x128x128xf32, #tpu.memory_space<vmem>> -> memref<128x128xf32, #tpu.memory_space<vmem>>
      %dma_start3A_361 = arith.constant 0 : i32
      %dma_start3A_362 = tpu.memref_slice %arg4[%add3A_355, %dma_start3A_361] : memref<819200x128xf32, #tpu.memory_space<hbm>> -> memref<128x128xf32, #tpu.memory_space<hbm>>
      %dma_start3A_363 = arith.constant 0 : i32
      %dma_start3A_364 = tpu.memref_slice %arg4[%add3A_355, %dma_start3A_363] : memref<819200x128xf32, #tpu.memory_space<hbm>> -> memref<128x128xf32, #tpu.memory_space<hbm>>
      %dma_start3A_365 = arith.constant 0 : i32
      %dma_start3A_366 = arith.constant 0 : i32
      %dma_start3A_367 = tpu.memref_slice %arg6[%dma_start3A_356, %dma_start3A_365, %dma_start3A_366] : memref<4x128x128xf32, #tpu.memory_space<vmem>> -> memref<1x128x128xf32, #tpu.memory_space<vmem>>
      %dma_start3A_368 = tpu.memref_squeeze %dma_start3A_367 : memref<1x128x128xf32, #tpu.memory_space<vmem>> -> memref<128x128xf32, #tpu.memory_space<vmem>>
      tpu.enqueue_dma source(%dma_start3A_368 : memref<128x128xf32, #tpu.memory_space<vmem>>) target(%dma_start3A_364 : memref<128x128xf32, #tpu.memory_space<hbm>>) target_semaphore(%arg14 : memref<!tpu.dma_semaphore, #tpu.memory_space<semaphore_mem>>)
      %add3A_369 = arith.constant 0 : i32
      %add3A_370 = arith.addi %mul3A_236, %add3A_369 : i32
      %mul3A_371 = arith.constant 128 : i32
      %mul3A_372 = arith.muli %add3A_370, %mul3A_371 : i32
      %add3A_373 = arith.addi %mul3A_2, %mul3A_372 : i32
      %dma_wait3A_374 = arith.constant 0 : i32
      %dma_wait3A_375 = arith.constant 0 : i32
      %dma_wait3A_376 = arith.constant 0 : i32
      %dma_wait3A_377 = tpu.memref_slice %arg6[%dma_wait3A_374, %dma_wait3A_375, %dma_wait3A_376] : memref<4x128x128xf32, #tpu.memory_space<vmem>> -> memref<1x128x128xf32, #tpu.memory_space<vmem>>
      %dma_wait3A_378 = tpu.memref_squeeze %dma_wait3A_377 : memref<1x128x128xf32, #tpu.memory_space<vmem>> -> memref<128x128xf32, #tpu.memory_space<vmem>>
      %dma_wait3A_379 = arith.constant 0 : i32
      %dma_wait3A_380 = tpu.memref_slice %arg4[%add3A_373, %dma_wait3A_379] : memref<819200x128xf32, #tpu.memory_space<hbm>> -> memref<128x128xf32, #tpu.memory_space<hbm>>
      %dma_wait3A_381 = arith.constant 0 : i32
      %dma_wait3A_382 = tpu.memref_slice %arg4[%add3A_373, %dma_wait3A_381] : memref<819200x128xf32, #tpu.memory_space<hbm>> -> memref<128x128xf32, #tpu.memory_space<hbm>>
      %dma_wait3A_383 = arith.constant 0 : i32
      %dma_wait3A_384 = arith.constant 0 : i32
      %dma_wait3A_385 = tpu.memref_slice %arg6[%dma_wait3A_374, %dma_wait3A_383, %dma_wait3A_384] : memref<4x128x128xf32, #tpu.memory_space<vmem>> -> memref<1x128x128xf32, #tpu.memory_space<vmem>>
      %dma_wait3A_386 = tpu.memref_squeeze %dma_wait3A_385 : memref<1x128x128xf32, #tpu.memory_space<vmem>> -> memref<128x128xf32, #tpu.memory_space<vmem>>
      tpu.wait_dma2 semaphore(%arg11 : memref<!tpu.dma_semaphore, #tpu.memory_space<semaphore_mem>>) src(%dma_wait3A_386 : memref<128x128xf32, #tpu.memory_space<vmem>>) dst(%dma_wait3A_382 : memref<128x128xf32, #tpu.memory_space<hbm>>)
      %add3A_387 = arith.constant 0 : i32
      %add3A_388 = arith.addi %mul3A_236, %add3A_387 : i32
      %add3A_389 = arith.constant 4 : i32
      %add3A_390 = arith.addi %add3A_388, %add3A_389 : i32
      %dma_start3A_391 = arith.constant 0 : i32
      %dma_start3A_392 = arith.constant 0 : i32
      %dma_start3A_393 = arith.constant 0 : i32
      %dma_start3A_394 = tpu.memref_slice %arg6[%dma_start3A_391, %dma_start3A_392, %dma_start3A_393] : memref<4x128x128xf32, #tpu.memory_space<vmem>> -> memref<1x128x128xf32, #tpu.memory_space<vmem>>
      %dma_start3A_395 = tpu.memref_squeeze %dma_start3A_394 : memref<1x128x128xf32, #tpu.memory_space<vmem>> -> memref<128x128xf32, #tpu.memory_space<vmem>>
      %dma_start3A_396 = arith.constant 0 : i32
      %dma_start3A_397 = tpu.memref_slice %arg5[%add3A_390, %dma_start3A_396] : memref<200x128xi32, #tpu.memory_space<vmem>> -> memref<1x128xi32, #tpu.memory_space<vmem>>
      %dma_start3A_398 = tpu.memref_squeeze %dma_start3A_397 : memref<1x128xi32, #tpu.memory_space<vmem>> -> memref<128xi32, #tpu.memory_space<vmem>>
      %dma_start3A_399 = arith.constant 0 : i32
      %dma_start3A_400 = arith.constant 0 : i32
      %dma_start3A_401 = tpu.memref_slice %arg3[%dma_start3A_399, %dma_start3A_400] : memref<100000x128xf32, #tpu.memory_space<hbm>> -> memref<100000x128xf32, #tpu.memory_space<hbm>>
      tpu.enqueue_indirect_dma source(%dma_start3A_401 : memref<100000x128xf32, #tpu.memory_space<hbm>>) target(%dma_start3A_395 : memref<128x128xf32, #tpu.memory_space<vmem>>) offsets(%dma_start3A_398 : memref<128xi32, #tpu.memory_space<vmem>>) semaphore(%arg7 : memref<!tpu.dma_semaphore, #tpu.memory_space<semaphore_mem>>)
      %add3A_402 = arith.constant 1 : i32
      %add3A_403 = arith.addi %mul3A_236, %add3A_402 : i32
      %mul3A_404 = arith.constant 128 : i32
      %mul3A_405 = arith.muli %add3A_403, %mul3A_404 : i32
      %add3A_406 = arith.addi %mul3A_2, %mul3A_405 : i32
      %dma_wait3A_407 = arith.constant 1 : i32
      %dma_wait3A_408 = arith.constant 0 : i32
      %dma_wait3A_409 = arith.constant 0 : i32
      %dma_wait3A_410 = tpu.memref_slice %arg6[%dma_wait3A_407, %dma_wait3A_408, %dma_wait3A_409] : memref<4x128x128xf32, #tpu.memory_space<vmem>> -> memref<1x128x128xf32, #tpu.memory_space<vmem>>
      %dma_wait3A_411 = tpu.memref_squeeze %dma_wait3A_410 : memref<1x128x128xf32, #tpu.memory_space<vmem>> -> memref<128x128xf32, #tpu.memory_space<vmem>>
      %dma_wait3A_412 = arith.constant 0 : i32
      %dma_wait3A_413 = tpu.memref_slice %arg4[%add3A_406, %dma_wait3A_412] : memref<819200x128xf32, #tpu.memory_space<hbm>> -> memref<128x128xf32, #tpu.memory_space<hbm>>
      %dma_wait3A_414 = arith.constant 0 : i32
      %dma_wait3A_415 = tpu.memref_slice %arg4[%add3A_406, %dma_wait3A_414] : memref<819200x128xf32, #tpu.memory_space<hbm>> -> memref<128x128xf32, #tpu.memory_space<hbm>>
      %dma_wait3A_416 = arith.constant 0 : i32
      %dma_wait3A_417 = arith.constant 0 : i32
      %dma_wait3A_418 = tpu.memref_slice %arg6[%dma_wait3A_407, %dma_wait3A_416, %dma_wait3A_417] : memref<4x128x128xf32, #tpu.memory_space<vmem>> -> memref<1x128x128xf32, #tpu.memory_space<vmem>>
      %dma_wait3A_419 = tpu.memref_squeeze %dma_wait3A_418 : memref<1x128x128xf32, #tpu.memory_space<vmem>> -> memref<128x128xf32, #tpu.memory_space<vmem>>
      tpu.wait_dma2 semaphore(%arg12 : memref<!tpu.dma_semaphore, #tpu.memory_space<semaphore_mem>>) src(%dma_wait3A_419 : memref<128x128xf32, #tpu.memory_space<vmem>>) dst(%dma_wait3A_415 : memref<128x128xf32, #tpu.memory_space<hbm>>)
      %add3A_420 = arith.constant 1 : i32
      %add3A_421 = arith.addi %mul3A_236, %add3A_420 : i32
      %add3A_422 = arith.constant 4 : i32
      %add3A_423 = arith.addi %add3A_421, %add3A_422 : i32
      %dma_start3A_424 = arith.constant 1 : i32
      %dma_start3A_425 = arith.constant 0 : i32
      %dma_start3A_426 = arith.constant 0 : i32
      %dma_start3A_427 = tpu.memref_slice %arg6[%dma_start3A_424, %dma_start3A_425, %dma_start3A_426] : memref<4x128x128xf32, #tpu.memory_space<vmem>> -> memref<1x128x128xf32, #tpu.memory_space<vmem>>
      %dma_start3A_428 = tpu.memref_squeeze %dma_start3A_427 : memref<1x128x128xf32, #tpu.memory_space<vmem>> -> memref<128x128xf32, #tpu.memory_space<vmem>>
      %dma_start3A_429 = arith.constant 0 : i32
      %dma_start3A_430 = tpu.memref_slice %arg5[%add3A_423, %dma_start3A_429] : memref<200x128xi32, #tpu.memory_space<vmem>> -> memref<1x128xi32, #tpu.memory_space<vmem>>
      %dma_start3A_431 = tpu.memref_squeeze %dma_start3A_430 : memref<1x128xi32, #tpu.memory_space<vmem>> -> memref<128xi32, #tpu.memory_space<vmem>>
      %dma_start3A_432 = arith.constant 0 : i32
      %dma_start3A_433 = arith.constant 0 : i32
      %dma_start3A_434 = tpu.memref_slice %arg3[%dma_start3A_432, %dma_start3A_433] : memref<100000x128xf32, #tpu.memory_space<hbm>> -> memref<100000x128xf32, #tpu.memory_space<hbm>>
      tpu.enqueue_indirect_dma source(%dma_start3A_434 : memref<100000x128xf32, #tpu.memory_space<hbm>>) target(%dma_start3A_428 : memref<128x128xf32, #tpu.memory_space<vmem>>) offsets(%dma_start3A_431 : memref<128xi32, #tpu.memory_space<vmem>>) semaphore(%arg8 : memref<!tpu.dma_semaphore, #tpu.memory_space<semaphore_mem>>)
      %add3A_435 = arith.constant 2 : i32
      %add3A_436 = arith.addi %mul3A_236, %add3A_435 : i32
      %mul3A_437 = arith.constant 128 : i32
      %mul3A_438 = arith.muli %add3A_436, %mul3A_437 : i32
      %add3A_439 = arith.addi %mul3A_2, %mul3A_438 : i32
      %dma_wait3A_440 = arith.constant 2 : i32
      %dma_wait3A_441 = arith.constant 0 : i32
      %dma_wait3A_442 = arith.constant 0 : i32
      %dma_wait3A_443 = tpu.memref_slice %arg6[%dma_wait3A_440, %dma_wait3A_441, %dma_wait3A_442] : memref<4x128x128xf32, #tpu.memory_space<vmem>> -> memref<1x128x128xf32, #tpu.memory_space<vmem>>
      %dma_wait3A_444 = tpu.memref_squeeze %dma_wait3A_443 : memref<1x128x128xf32, #tpu.memory_space<vmem>> -> memref<128x128xf32, #tpu.memory_space<vmem>>
      %dma_wait3A_445 = arith.constant 0 : i32
      %dma_wait3A_446 = tpu.memref_slice %arg4[%add3A_439, %dma_wait3A_445] : memref<819200x128xf32, #tpu.memory_space<hbm>> -> memref<128x128xf32, #tpu.memory_space<hbm>>
      %dma_wait3A_447 = arith.constant 0 : i32
      %dma_wait3A_448 = tpu.memref_slice %arg4[%add3A_439, %dma_wait3A_447] : memref<819200x128xf32, #tpu.memory_space<hbm>> -> memref<128x128xf32, #tpu.memory_space<hbm>>
      %dma_wait3A_449 = arith.constant 0 : i32
      %dma_wait3A_450 = arith.constant 0 : i32
      %dma_wait3A_451 = tpu.memref_slice %arg6[%dma_wait3A_440, %dma_wait3A_449, %dma_wait3A_450] : memref<4x128x128xf32, #tpu.memory_space<vmem>> -> memref<1x128x128xf32, #tpu.memory_space<vmem>>
      %dma_wait3A_452 = tpu.memref_squeeze %dma_wait3A_451 : memref<1x128x128xf32, #tpu.memory_space<vmem>> -> memref<128x128xf32, #tpu.memory_space<vmem>>
      tpu.wait_dma2 semaphore(%arg13 : memref<!tpu.dma_semaphore, #tpu.memory_space<semaphore_mem>>) src(%dma_wait3A_452 : memref<128x128xf32, #tpu.memory_space<vmem>>) dst(%dma_wait3A_448 : memref<128x128xf32, #tpu.memory_space<hbm>>)
      %add3A_453 = arith.constant 2 : i32
      %add3A_454 = arith.addi %mul3A_236, %add3A_453 : i32
      %add3A_455 = arith.constant 4 : i32
      %add3A_456 = arith.addi %add3A_454, %add3A_455 : i32
      %dma_start3A_457 = arith.constant 2 : i32
      %dma_start3A_458 = arith.constant 0 : i32
      %dma_start3A_459 = arith.constant 0 : i32
      %dma_start3A_460 = tpu.memref_slice %arg6[%dma_start3A_457, %dma_start3A_458, %dma_start3A_459] : memref<4x128x128xf32, #tpu.memory_space<vmem>> -> memref<1x128x128xf32, #tpu.memory_space<vmem>>
      %dma_start3A_461 = tpu.memref_squeeze %dma_start3A_460 : memref<1x128x128xf32, #tpu.memory_space<vmem>> -> memref<128x128xf32, #tpu.memory_space<vmem>>
      %dma_start3A_462 = arith.constant 0 : i32
      %dma_start3A_463 = tpu.memref_slice %arg5[%add3A_456, %dma_start3A_462] : memref<200x128xi32, #tpu.memory_space<vmem>> -> memref<1x128xi32, #tpu.memory_space<vmem>>
      %dma_start3A_464 = tpu.memref_squeeze %dma_start3A_463 : memref<1x128xi32, #tpu.memory_space<vmem>> -> memref<128xi32, #tpu.memory_space<vmem>>
      %dma_start3A_465 = arith.constant 0 : i32
      %dma_start3A_466 = arith.constant 0 : i32
      %dma_start3A_467 = tpu.memref_slice %arg3[%dma_start3A_465, %dma_start3A_466] : memref<100000x128xf32, #tpu.memory_space<hbm>> -> memref<100000x128xf32, #tpu.memory_space<hbm>>
      tpu.enqueue_indirect_dma source(%dma_start3A_467 : memref<100000x128xf32, #tpu.memory_space<hbm>>) target(%dma_start3A_461 : memref<128x128xf32, #tpu.memory_space<vmem>>) offsets(%dma_start3A_464 : memref<128xi32, #tpu.memory_space<vmem>>) semaphore(%arg9 : memref<!tpu.dma_semaphore, #tpu.memory_space<semaphore_mem>>)
      %add3A_468 = arith.constant 3 : i32
      %add3A_469 = arith.addi %mul3A_236, %add3A_468 : i32
      %mul3A_470 = arith.constant 128 : i32
      %mul3A_471 = arith.muli %add3A_469, %mul3A_470 : i32
      %add3A_472 = arith.addi %mul3A_2, %mul3A_471 : i32
      %dma_wait3A_473 = arith.constant 3 : i32
      %dma_wait3A_474 = arith.constant 0 : i32
      %dma_wait3A_475 = arith.constant 0 : i32
      %dma_wait3A_476 = tpu.memref_slice %arg6[%dma_wait3A_473, %dma_wait3A_474, %dma_wait3A_475] : memref<4x128x128xf32, #tpu.memory_space<vmem>> -> memref<1x128x128xf32, #tpu.memory_space<vmem>>
      %dma_wait3A_477 = tpu.memref_squeeze %dma_wait3A_476 : memref<1x128x128xf32, #tpu.memory_space<vmem>> -> memref<128x128xf32, #tpu.memory_space<vmem>>
      %dma_wait3A_478 = arith.constant 0 : i32
      %dma_wait3A_479 = tpu.memref_slice %arg4[%add3A_472, %dma_wait3A_478] : memref<819200x128xf32, #tpu.memory_space<hbm>> -> memref<128x128xf32, #tpu.memory_space<hbm>>
      %dma_wait3A_480 = arith.constant 0 : i32
      %dma_wait3A_481 = tpu.memref_slice %arg4[%add3A_472, %dma_wait3A_480] : memref<819200x128xf32, #tpu.memory_space<hbm>> -> memref<128x128xf32, #tpu.memory_space<hbm>>
      %dma_wait3A_482 = arith.constant 0 : i32
      %dma_wait3A_483 = arith.constant 0 : i32
      %dma_wait3A_484 = tpu.memref_slice %arg6[%dma_wait3A_473, %dma_wait3A_482, %dma_wait3A_483] : memref<4x128x128xf32, #tpu.memory_space<vmem>> -> memref<1x128x128xf32, #tpu.memory_space<vmem>>
      %dma_wait3A_485 = tpu.memref_squeeze %dma_wait3A_484 : memref<1x128x128xf32, #tpu.memory_space<vmem>> -> memref<128x128xf32, #tpu.memory_space<vmem>>
      tpu.wait_dma2 semaphore(%arg14 : memref<!tpu.dma_semaphore, #tpu.memory_space<semaphore_mem>>) src(%dma_wait3A_485 : memref<128x128xf32, #tpu.memory_space<vmem>>) dst(%dma_wait3A_481 : memref<128x128xf32, #tpu.memory_space<hbm>>)
      %add3A_486 = arith.constant 3 : i32
      %add3A_487 = arith.addi %mul3A_236, %add3A_486 : i32
      %add3A_488 = arith.constant 4 : i32
      %add3A_489 = arith.addi %add3A_487, %add3A_488 : i32
      %dma_start3A_490 = arith.constant 3 : i32
      %dma_start3A_491 = arith.constant 0 : i32
      %dma_start3A_492 = arith.constant 0 : i32
      %dma_start3A_493 = tpu.memref_slice %arg6[%dma_start3A_490, %dma_start3A_491, %dma_start3A_492] : memref<4x128x128xf32, #tpu.memory_space<vmem>> -> memref<1x128x128xf32, #tpu.memory_space<vmem>>
      %dma_start3A_494 = tpu.memref_squeeze %dma_start3A_493 : memref<1x128x128xf32, #tpu.memory_space<vmem>> -> memref<128x128xf32, #tpu.memory_space<vmem>>
      %dma_start3A_495 = arith.constant 0 : i32
      %dma_start3A_496 = tpu.memref_slice %arg5[%add3A_489, %dma_start3A_495] : memref<200x128xi32, #tpu.memory_space<vmem>> -> memref<1x128xi32, #tpu.memory_space<vmem>>
      %dma_start3A_497 = tpu.memref_squeeze %dma_start3A_496 : memref<1x128xi32, #tpu.memory_space<vmem>> -> memref<128xi32, #tpu.memory_space<vmem>>
      %dma_start3A_498 = arith.constant 0 : i32
      %dma_start3A_499 = arith.constant 0 : i32
      %dma_start3A_500 = tpu.memref_slice %arg3[%dma_start3A_498, %dma_start3A_499] : memref<100000x128xf32, #tpu.memory_space<hbm>> -> memref<100000x128xf32, #tpu.memory_space<hbm>>
      tpu.enqueue_indirect_dma source(%dma_start3A_500 : memref<100000x128xf32, #tpu.memory_space<hbm>>) target(%dma_start3A_494 : memref<128x128xf32, #tpu.memory_space<vmem>>) offsets(%dma_start3A_497 : memref<128xi32, #tpu.memory_space<vmem>>) semaphore(%arg10 : memref<!tpu.dma_semaphore, #tpu.memory_space<semaphore_mem>>)
    }
    %scan3A_54 = arith.constant 49 : i32
    %dma_wait3A = arith.constant 0 : i32
    %dma_wait3A_55 = arith.constant 0 : i32
    %dma_wait3A_56 = arith.constant 0 : i32
    %dma_wait3A_57 = tpu.memref_slice %arg6[%dma_wait3A, %dma_wait3A_55, %dma_wait3A_56] : memref<4x128x128xf32, #tpu.memory_space<vmem>> -> memref<1x128x128xf32, #tpu.memory_space<vmem>>
    %dma_wait3A_58 = tpu.memref_squeeze %dma_wait3A_57 : memref<1x128x128xf32, #tpu.memory_space<vmem>> -> memref<128x128xf32, #tpu.memory_space<vmem>>
    %dma_wait3A_59 = arith.constant 0 : i32
    %dma_wait3A_60 = arith.constant 0 : i32
    %dma_wait3A_61 = tpu.memref_slice %arg3[%dma_wait3A_59, %dma_wait3A_60] : memref<100000x128xf32, #tpu.memory_space<hbm>> -> memref<128x128xf32, #tpu.memory_space<hbm>>
    %dma_wait3A_62 = arith.constant 0 : i32
    %dma_wait3A_63 = arith.constant 0 : i32
    %dma_wait3A_64 = tpu.memref_slice %arg6[%dma_wait3A, %dma_wait3A_62, %dma_wait3A_63] : memref<4x128x128xf32, #tpu.memory_space<vmem>> -> memref<1x128x128xf32, #tpu.memory_space<vmem>>
    %dma_wait3A_65 = tpu.memref_squeeze %dma_wait3A_64 : memref<1x128x128xf32, #tpu.memory_space<vmem>> -> memref<128x128xf32, #tpu.memory_space<vmem>>
    %dma_wait3A_66 = arith.constant 0 : i32
    %dma_wait3A_67 = arith.constant 0 : i32
    %dma_wait3A_68 = tpu.memref_slice %arg3[%dma_wait3A_66, %dma_wait3A_67] : memref<100000x128xf32, #tpu.memory_space<hbm>> -> memref<128x128xf32, #tpu.memory_space<hbm>>
    tpu.wait_dma2 semaphore(%arg7 : memref<!tpu.dma_semaphore, #tpu.memory_space<semaphore_mem>>) src(%dma_wait3A_68 : memref<128x128xf32, #tpu.memory_space<hbm>>) dst(%dma_wait3A_65 : memref<128x128xf32, #tpu.memory_space<vmem>>)
    %add3A_69 = arith.constant 25088 : i32
    %add3A_70 = arith.addi %mul3A_2, %add3A_69 : i32
    %dma_start3A_71 = arith.constant 0 : i32
    %dma_start3A_72 = arith.constant 0 : i32
    %dma_start3A_73 = arith.constant 0 : i32
    %dma_start3A_74 = tpu.memref_slice %arg6[%dma_start3A_71, %dma_start3A_72, %dma_start3A_73] : memref<4x128x128xf32, #tpu.memory_space<vmem>> -> memref<1x128x128xf32, #tpu.memory_space<vmem>>
    %dma_start3A_75 = tpu.memref_squeeze %dma_start3A_74 : memref<1x128x128xf32, #tpu.memory_space<vmem>> -> memref<128x128xf32, #tpu.memory_space<vmem>>
    %dma_start3A_76 = arith.constant 0 : i32
    %dma_start3A_77 = tpu.memref_slice %arg4[%add3A_70, %dma_start3A_76] : memref<819200x128xf32, #tpu.memory_space<hbm>> -> memref<128x128xf32, #tpu.memory_space<hbm>>
    %dma_start3A_78 = arith.constant 0 : i32
    %dma_start3A_79 = tpu.memref_slice %arg4[%add3A_70, %dma_start3A_78] : memref<819200x128xf32, #tpu.memory_space<hbm>> -> memref<128x128xf32, #tpu.memory_space<hbm>>
    %dma_start3A_80 = arith.constant 0 : i32
    %dma_start3A_81 = arith.constant 0 : i32
    %dma_start3A_82 = tpu.memref_slice %arg6[%dma_start3A_71, %dma_start3A_80, %dma_start3A_81] : memref<4x128x128xf32, #tpu.memory_space<vmem>> -> memref<1x128x128xf32, #tpu.memory_space<vmem>>
    %dma_start3A_83 = tpu.memref_squeeze %dma_start3A_82 : memref<1x128x128xf32, #tpu.memory_space<vmem>> -> memref<128x128xf32, #tpu.memory_space<vmem>>
    tpu.enqueue_dma source(%dma_start3A_83 : memref<128x128xf32, #tpu.memory_space<vmem>>) target(%dma_start3A_79 : memref<128x128xf32, #tpu.memory_space<hbm>>) target_semaphore(%arg11 : memref<!tpu.dma_semaphore, #tpu.memory_space<semaphore_mem>>)
    %dma_wait3A_84 = arith.constant 1 : i32
    %dma_wait3A_85 = arith.constant 0 : i32
    %dma_wait3A_86 = arith.constant 0 : i32
    %dma_wait3A_87 = tpu.memref_slice %arg6[%dma_wait3A_84, %dma_wait3A_85, %dma_wait3A_86] : memref<4x128x128xf32, #tpu.memory_space<vmem>> -> memref<1x128x128xf32, #tpu.memory_space<vmem>>
    %dma_wait3A_88 = tpu.memref_squeeze %dma_wait3A_87 : memref<1x128x128xf32, #tpu.memory_space<vmem>> -> memref<128x128xf32, #tpu.memory_space<vmem>>
    %dma_wait3A_89 = arith.constant 0 : i32
    %dma_wait3A_90 = arith.constant 0 : i32
    %dma_wait3A_91 = tpu.memref_slice %arg3[%dma_wait3A_89, %dma_wait3A_90] : memref<100000x128xf32, #tpu.memory_space<hbm>> -> memref<128x128xf32, #tpu.memory_space<hbm>>
    %dma_wait3A_92 = arith.constant 0 : i32
    %dma_wait3A_93 = arith.constant 0 : i32
    %dma_wait3A_94 = tpu.memref_slice %arg6[%dma_wait3A_84, %dma_wait3A_92, %dma_wait3A_93] : memref<4x128x128xf32, #tpu.memory_space<vmem>> -> memref<1x128x128xf32, #tpu.memory_space<vmem>>
    %dma_wait3A_95 = tpu.memref_squeeze %dma_wait3A_94 : memref<1x128x128xf32, #tpu.memory_space<vmem>> -> memref<128x128xf32, #tpu.memory_space<vmem>>
    %dma_wait3A_96 = arith.constant 0 : i32
    %dma_wait3A_97 = arith.constant 0 : i32
    %dma_wait3A_98 = tpu.memref_slice %arg3[%dma_wait3A_96, %dma_wait3A_97] : memref<100000x128xf32, #tpu.memory_space<hbm>> -> memref<128x128xf32, #tpu.memory_space<hbm>>
    tpu.wait_dma2 semaphore(%arg8 : memref<!tpu.dma_semaphore, #tpu.memory_space<semaphore_mem>>) src(%dma_wait3A_98 : memref<128x128xf32, #tpu.memory_space<hbm>>) dst(%dma_wait3A_95 : memref<128x128xf32, #tpu.memory_space<vmem>>)
    %add3A_99 = arith.constant 25216 : i32
    %add3A_100 = arith.addi %mul3A_2, %add3A_99 : i32
    %dma_start3A_101 = arith.constant 1 : i32
    %dma_start3A_102 = arith.constant 0 : i32
    %dma_start3A_103 = arith.constant 0 : i32
    %dma_start3A_104 = tpu.memref_slice %arg6[%dma_start3A_101, %dma_start3A_102, %dma_start3A_103] : memref<4x128x128xf32, #tpu.memory_space<vmem>> -> memref<1x128x128xf32, #tpu.memory_space<vmem>>
    %dma_start3A_105 = tpu.memref_squeeze %dma_start3A_104 : memref<1x128x128xf32, #tpu.memory_space<vmem>> -> memref<128x128xf32, #tpu.memory_space<vmem>>
    %dma_start3A_106 = arith.constant 0 : i32
    %dma_start3A_107 = tpu.memref_slice %arg4[%add3A_100, %dma_start3A_106] : memref<819200x128xf32, #tpu.memory_space<hbm>> -> memref<128x128xf32, #tpu.memory_space<hbm>>
    %dma_start3A_108 = arith.constant 0 : i32
    %dma_start3A_109 = tpu.memref_slice %arg4[%add3A_100, %dma_start3A_108] : memref<819200x128xf32, #tpu.memory_space<hbm>> -> memref<128x128xf32, #tpu.memory_space<hbm>>
    %dma_start3A_110 = arith.constant 0 : i32
    %dma_start3A_111 = arith.constant 0 : i32
    %dma_start3A_112 = tpu.memref_slice %arg6[%dma_start3A_101, %dma_start3A_110, %dma_start3A_111] : memref<4x128x128xf32, #tpu.memory_space<vmem>> -> memref<1x128x128xf32, #tpu.memory_space<vmem>>
    %dma_start3A_113 = tpu.memref_squeeze %dma_start3A_112 : memref<1x128x128xf32, #tpu.memory_space<vmem>> -> memref<128x128xf32, #tpu.memory_space<vmem>>
    tpu.enqueue_dma source(%dma_start3A_113 : memref<128x128xf32, #tpu.memory_space<vmem>>) target(%dma_start3A_109 : memref<128x128xf32, #tpu.memory_space<hbm>>) target_semaphore(%arg12 : memref<!tpu.dma_semaphore, #tpu.memory_space<semaphore_mem>>)
    %dma_wait3A_114 = arith.constant 2 : i32
    %dma_wait3A_115 = arith.constant 0 : i32
    %dma_wait3A_116 = arith.constant 0 : i32
    %dma_wait3A_117 = tpu.memref_slice %arg6[%dma_wait3A_114, %dma_wait3A_115, %dma_wait3A_116] : memref<4x128x128xf32, #tpu.memory_space<vmem>> -> memref<1x128x128xf32, #tpu.memory_space<vmem>>
    %dma_wait3A_118 = tpu.memref_squeeze %dma_wait3A_117 : memref<1x128x128xf32, #tpu.memory_space<vmem>> -> memref<128x128xf32, #tpu.memory_space<vmem>>
    %dma_wait3A_119 = arith.constant 0 : i32
    %dma_wait3A_120 = arith.constant 0 : i32
    %dma_wait3A_121 = tpu.memref_slice %arg3[%dma_wait3A_119, %dma_wait3A_120] : memref<100000x128xf32, #tpu.memory_space<hbm>> -> memref<128x128xf32, #tpu.memory_space<hbm>>
    %dma_wait3A_122 = arith.constant 0 : i32
    %dma_wait3A_123 = arith.constant 0 : i32
    %dma_wait3A_124 = tpu.memref_slice %arg6[%dma_wait3A_114, %dma_wait3A_122, %dma_wait3A_123] : memref<4x128x128xf32, #tpu.memory_space<vmem>> -> memref<1x128x128xf32, #tpu.memory_space<vmem>>
    %dma_wait3A_125 = tpu.memref_squeeze %dma_wait3A_124 : memref<1x128x128xf32, #tpu.memory_space<vmem>> -> memref<128x128xf32, #tpu.memory_space<vmem>>
    %dma_wait3A_126 = arith.constant 0 : i32
    %dma_wait3A_127 = arith.constant 0 : i32
    %dma_wait3A_128 = tpu.memref_slice %arg3[%dma_wait3A_126, %dma_wait3A_127] : memref<100000x128xf32, #tpu.memory_space<hbm>> -> memref<128x128xf32, #tpu.memory_space<hbm>>
    tpu.wait_dma2 semaphore(%arg9 : memref<!tpu.dma_semaphore, #tpu.memory_space<semaphore_mem>>) src(%dma_wait3A_128 : memref<128x128xf32, #tpu.memory_space<hbm>>) dst(%dma_wait3A_125 : memref<128x128xf32, #tpu.memory_space<vmem>>)
    %add3A_129 = arith.constant 25344 : i32
    %add3A_130 = arith.addi %mul3A_2, %add3A_129 : i32
    %dma_start3A_131 = arith.constant 2 : i32
    %dma_start3A_132 = arith.constant 0 : i32
    %dma_start3A_133 = arith.constant 0 : i32
    %dma_start3A_134 = tpu.memref_slice %arg6[%dma_start3A_131, %dma_start3A_132, %dma_start3A_133] : memref<4x128x128xf32, #tpu.memory_space<vmem>> -> memref<1x128x128xf32, #tpu.memory_space<vmem>>
    %dma_start3A_135 = tpu.memref_squeeze %dma_start3A_134 : memref<1x128x128xf32, #tpu.memory_space<vmem>> -> memref<128x128xf32, #tpu.memory_space<vmem>>
    %dma_start3A_136 = arith.constant 0 : i32
    %dma_start3A_137 = tpu.memref_slice %arg4[%add3A_130, %dma_start3A_136] : memref<819200x128xf32, #tpu.memory_space<hbm>> -> memref<128x128xf32, #tpu.memory_space<hbm>>
    %dma_start3A_138 = arith.constant 0 : i32
    %dma_start3A_139 = tpu.memref_slice %arg4[%add3A_130, %dma_start3A_138] : memref<819200x128xf32, #tpu.memory_space<hbm>> -> memref<128x128xf32, #tpu.memory_space<hbm>>
    %dma_start3A_140 = arith.constant 0 : i32
    %dma_start3A_141 = arith.constant 0 : i32
    %dma_start3A_142 = tpu.memref_slice %arg6[%dma_start3A_131, %dma_start3A_140, %dma_start3A_141] : memref<4x128x128xf32, #tpu.memory_space<vmem>> -> memref<1x128x128xf32, #tpu.memory_space<vmem>>
    %dma_start3A_143 = tpu.memref_squeeze %dma_start3A_142 : memref<1x128x128xf32, #tpu.memory_space<vmem>> -> memref<128x128xf32, #tpu.memory_space<vmem>>
    tpu.enqueue_dma source(%dma_start3A_143 : memref<128x128xf32, #tpu.memory_space<vmem>>) target(%dma_start3A_139 : memref<128x128xf32, #tpu.memory_space<hbm>>) target_semaphore(%arg13 : memref<!tpu.dma_semaphore, #tpu.memory_space<semaphore_mem>>)
    %dma_wait3A_144 = arith.constant 3 : i32
    %dma_wait3A_145 = arith.constant 0 : i32
    %dma_wait3A_146 = arith.constant 0 : i32
    %dma_wait3A_147 = tpu.memref_slice %arg6[%dma_wait3A_144, %dma_wait3A_145, %dma_wait3A_146] : memref<4x128x128xf32, #tpu.memory_space<vmem>> -> memref<1x128x128xf32, #tpu.memory_space<vmem>>
    %dma_wait3A_148 = tpu.memref_squeeze %dma_wait3A_147 : memref<1x128x128xf32, #tpu.memory_space<vmem>> -> memref<128x128xf32, #tpu.memory_space<vmem>>
    %dma_wait3A_149 = arith.constant 0 : i32
    %dma_wait3A_150 = arith.constant 0 : i32
    %dma_wait3A_151 = tpu.memref_slice %arg3[%dma_wait3A_149, %dma_wait3A_150] : memref<100000x128xf32, #tpu.memory_space<hbm>> -> memref<128x128xf32, #tpu.memory_space<hbm>>
    %dma_wait3A_152 = arith.constant 0 : i32
    %dma_wait3A_153 = arith.constant 0 : i32
    %dma_wait3A_154 = tpu.memref_slice %arg6[%dma_wait3A_144, %dma_wait3A_152, %dma_wait3A_153] : memref<4x128x128xf32, #tpu.memory_space<vmem>> -> memref<1x128x128xf32, #tpu.memory_space<vmem>>
    %dma_wait3A_155 = tpu.memref_squeeze %dma_wait3A_154 : memref<1x128x128xf32, #tpu.memory_space<vmem>> -> memref<128x128xf32, #tpu.memory_space<vmem>>
    %dma_wait3A_156 = arith.constant 0 : i32
    %dma_wait3A_157 = arith.constant 0 : i32
    %dma_wait3A_158 = tpu.memref_slice %arg3[%dma_wait3A_156, %dma_wait3A_157] : memref<100000x128xf32, #tpu.memory_space<hbm>> -> memref<128x128xf32, #tpu.memory_space<hbm>>
    tpu.wait_dma2 semaphore(%arg10 : memref<!tpu.dma_semaphore, #tpu.memory_space<semaphore_mem>>) src(%dma_wait3A_158 : memref<128x128xf32, #tpu.memory_space<hbm>>) dst(%dma_wait3A_155 : memref<128x128xf32, #tpu.memory_space<vmem>>)
    %add3A_159 = arith.constant 25472 : i32
    %add3A_160 = arith.addi %mul3A_2, %add3A_159 : i32
    %dma_start3A_161 = arith.constant 3 : i32
    %dma_start3A_162 = arith.constant 0 : i32
    %dma_start3A_163 = arith.constant 0 : i32
    %dma_start3A_164 = tpu.memref_slice %arg6[%dma_start3A_161, %dma_start3A_162, %dma_start3A_163] : memref<4x128x128xf32, #tpu.memory_space<vmem>> -> memref<1x128x128xf32, #tpu.memory_space<vmem>>
    %dma_start3A_165 = tpu.memref_squeeze %dma_start3A_164 : memref<1x128x128xf32, #tpu.memory_space<vmem>> -> memref<128x128xf32, #tpu.memory_space<vmem>>
    %dma_start3A_166 = arith.constant 0 : i32
    %dma_start3A_167 = tpu.memref_slice %arg4[%add3A_160, %dma_start3A_166] : memref<819200x128xf32, #tpu.memory_space<hbm>> -> memref<128x128xf32, #tpu.memory_space<hbm>>
    %dma_start3A_168 = arith.constant 0 : i32
    %dma_start3A_169 = tpu.memref_slice %arg4[%add3A_160, %dma_start3A_168] : memref<819200x128xf32, #tpu.memory_space<hbm>> -> memref<128x128xf32, #tpu.memory_space<hbm>>
    %dma_start3A_170 = arith.constant 0 : i32
    %dma_start3A_171 = arith.constant 0 : i32
    %dma_start3A_172 = tpu.memref_slice %arg6[%dma_start3A_161, %dma_start3A_170, %dma_start3A_171] : memref<4x128x128xf32, #tpu.memory_space<vmem>> -> memref<1x128x128xf32, #tpu.memory_space<vmem>>
    %dma_start3A_173 = tpu.memref_squeeze %dma_start3A_172 : memref<1x128x128xf32, #tpu.memory_space<vmem>> -> memref<128x128xf32, #tpu.memory_space<vmem>>
    tpu.enqueue_dma source(%dma_start3A_173 : memref<128x128xf32, #tpu.memory_space<vmem>>) target(%dma_start3A_169 : memref<128x128xf32, #tpu.memory_space<hbm>>) target_semaphore(%arg14 : memref<!tpu.dma_semaphore, #tpu.memory_space<semaphore_mem>>)
    %add3A_174 = arith.constant 25088 : i32
    %add3A_175 = arith.addi %mul3A_2, %add3A_174 : i32
    %dma_wait3A_176 = arith.constant 0 : i32
    %dma_wait3A_177 = arith.constant 0 : i32
    %dma_wait3A_178 = arith.constant 0 : i32
    %dma_wait3A_179 = tpu.memref_slice %arg6[%dma_wait3A_176, %dma_wait3A_177, %dma_wait3A_178] : memref<4x128x128xf32, #tpu.memory_space<vmem>> -> memref<1x128x128xf32, #tpu.memory_space<vmem>>
    %dma_wait3A_180 = tpu.memref_squeeze %dma_wait3A_179 : memref<1x128x128xf32, #tpu.memory_space<vmem>> -> memref<128x128xf32, #tpu.memory_space<vmem>>
    %dma_wait3A_181 = arith.constant 0 : i32
    %dma_wait3A_182 = tpu.memref_slice %arg4[%add3A_175, %dma_wait3A_181] : memref<819200x128xf32, #tpu.memory_space<hbm>> -> memref<128x128xf32, #tpu.memory_space<hbm>>
    %dma_wait3A_183 = arith.constant 0 : i32
    %dma_wait3A_184 = tpu.memref_slice %arg4[%add3A_175, %dma_wait3A_183] : memref<819200x128xf32, #tpu.memory_space<hbm>> -> memref<128x128xf32, #tpu.memory_space<hbm>>
    %dma_wait3A_185 = arith.constant 0 : i32
    %dma_wait3A_186 = arith.constant 0 : i32
    %dma_wait3A_187 = tpu.memref_slice %arg6[%dma_wait3A_176, %dma_wait3A_185, %dma_wait3A_186] : memref<4x128x128xf32, #tpu.memory_space<vmem>> -> memref<1x128x128xf32, #tpu.memory_space<vmem>>
    %dma_wait3A_188 = tpu.memref_squeeze %dma_wait3A_187 : memref<1x128x128xf32, #tpu.memory_space<vmem>> -> memref<128x128xf32, #tpu.memory_space<vmem>>
    tpu.wait_dma2 semaphore(%arg11 : memref<!tpu.dma_semaphore, #tpu.memory_space<semaphore_mem>>) src(%dma_wait3A_188 : memref<128x128xf32, #tpu.memory_space<vmem>>) dst(%dma_wait3A_184 : memref<128x128xf32, #tpu.memory_space<hbm>>)
    %add3A_189 = arith.constant 25216 : i32
    %add3A_190 = arith.addi %mul3A_2, %add3A_189 : i32
    %dma_wait3A_191 = arith.constant 1 : i32
    %dma_wait3A_192 = arith.constant 0 : i32
    %dma_wait3A_193 = arith.constant 0 : i32
    %dma_wait3A_194 = tpu.memref_slice %arg6[%dma_wait3A_191, %dma_wait3A_192, %dma_wait3A_193] : memref<4x128x128xf32, #tpu.memory_space<vmem>> -> memref<1x128x128xf32, #tpu.memory_space<vmem>>
    %dma_wait3A_195 = tpu.memref_squeeze %dma_wait3A_194 : memref<1x128x128xf32, #tpu.memory_space<vmem>> -> memref<128x128xf32, #tpu.memory_space<vmem>>
    %dma_wait3A_196 = arith.constant 0 : i32
    %dma_wait3A_197 = tpu.memref_slice %arg4[%add3A_190, %dma_wait3A_196] : memref<819200x128xf32, #tpu.memory_space<hbm>> -> memref<128x128xf32, #tpu.memory_space<hbm>>
    %dma_wait3A_198 = arith.constant 0 : i32
    %dma_wait3A_199 = tpu.memref_slice %arg4[%add3A_190, %dma_wait3A_198] : memref<819200x128xf32, #tpu.memory_space<hbm>> -> memref<128x128xf32, #tpu.memory_space<hbm>>
    %dma_wait3A_200 = arith.constant 0 : i32
    %dma_wait3A_201 = arith.constant 0 : i32
    %dma_wait3A_202 = tpu.memref_slice %arg6[%dma_wait3A_191, %dma_wait3A_200, %dma_wait3A_201] : memref<4x128x128xf32, #tpu.memory_space<vmem>> -> memref<1x128x128xf32, #tpu.memory_space<vmem>>
    %dma_wait3A_203 = tpu.memref_squeeze %dma_wait3A_202 : memref<1x128x128xf32, #tpu.memory_space<vmem>> -> memref<128x128xf32, #tpu.memory_space<vmem>>
    tpu.wait_dma2 semaphore(%arg12 : memref<!tpu.dma_semaphore, #tpu.memory_space<semaphore_mem>>) src(%dma_wait3A_203 : memref<128x128xf32, #tpu.memory_space<vmem>>) dst(%dma_wait3A_199 : memref<128x128xf32, #tpu.memory_space<hbm>>)
    %add3A_204 = arith.constant 25344 : i32
    %add3A_205 = arith.addi %mul3A_2, %add3A_204 : i32
    %dma_wait3A_206 = arith.constant 2 : i32
    %dma_wait3A_207 = arith.constant 0 : i32
    %dma_wait3A_208 = arith.constant 0 : i32
    %dma_wait3A_209 = tpu.memref_slice %arg6[%dma_wait3A_206, %dma_wait3A_207, %dma_wait3A_208] : memref<4x128x128xf32, #tpu.memory_space<vmem>> -> memref<1x128x128xf32, #tpu.memory_space<vmem>>
    %dma_wait3A_210 = tpu.memref_squeeze %dma_wait3A_209 : memref<1x128x128xf32, #tpu.memory_space<vmem>> -> memref<128x128xf32, #tpu.memory_space<vmem>>
    %dma_wait3A_211 = arith.constant 0 : i32
    %dma_wait3A_212 = tpu.memref_slice %arg4[%add3A_205, %dma_wait3A_211] : memref<819200x128xf32, #tpu.memory_space<hbm>> -> memref<128x128xf32, #tpu.memory_space<hbm>>
    %dma_wait3A_213 = arith.constant 0 : i32
    %dma_wait3A_214 = tpu.memref_slice %arg4[%add3A_205, %dma_wait3A_213] : memref<819200x128xf32, #tpu.memory_space<hbm>> -> memref<128x128xf32, #tpu.memory_space<hbm>>
    %dma_wait3A_215 = arith.constant 0 : i32
    %dma_wait3A_216 = arith.constant 0 : i32
    %dma_wait3A_217 = tpu.memref_slice %arg6[%dma_wait3A_206, %dma_wait3A_215, %dma_wait3A_216] : memref<4x128x128xf32, #tpu.memory_space<vmem>> -> memref<1x128x128xf32, #tpu.memory_space<vmem>>
    %dma_wait3A_218 = tpu.memref_squeeze %dma_wait3A_217 : memref<1x128x128xf32, #tpu.memory_space<vmem>> -> memref<128x128xf32, #tpu.memory_space<vmem>>
    tpu.wait_dma2 semaphore(%arg13 : memref<!tpu.dma_semaphore, #tpu.memory_space<semaphore_mem>>) src(%dma_wait3A_218 : memref<128x128xf32, #tpu.memory_space<vmem>>) dst(%dma_wait3A_214 : memref<128x128xf32, #tpu.memory_space<hbm>>)
    %add3A_219 = arith.constant 25472 : i32
    %add3A_220 = arith.addi %mul3A_2, %add3A_219 : i32
    %dma_wait3A_221 = arith.constant 3 : i32
    %dma_wait3A_222 = arith.constant 0 : i32
    %dma_wait3A_223 = arith.constant 0 : i32
    %dma_wait3A_224 = tpu.memref_slice %arg6[%dma_wait3A_221, %dma_wait3A_222, %dma_wait3A_223] : memref<4x128x128xf32, #tpu.memory_space<vmem>> -> memref<1x128x128xf32, #tpu.memory_space<vmem>>
    %dma_wait3A_225 = tpu.memref_squeeze %dma_wait3A_224 : memref<1x128x128xf32, #tpu.memory_space<vmem>> -> memref<128x128xf32, #tpu.memory_space<vmem>>
    %dma_wait3A_226 = arith.constant 0 : i32
    %dma_wait3A_227 = tpu.memref_slice %arg4[%add3A_220, %dma_wait3A_226] : memref<819200x128xf32, #tpu.memory_space<hbm>> -> memref<128x128xf32, #tpu.memory_space<hbm>>
    %dma_wait3A_228 = arith.constant 0 : i32
    %dma_wait3A_229 = tpu.memref_slice %arg4[%add3A_220, %dma_wait3A_228] : memref<819200x128xf32, #tpu.memory_space<hbm>> -> memref<128x128xf32, #tpu.memory_space<hbm>>
    %dma_wait3A_230 = arith.constant 0 : i32
    %dma_wait3A_231 = arith.constant 0 : i32
    %dma_wait3A_232 = tpu.memref_slice %arg6[%dma_wait3A_221, %dma_wait3A_230, %dma_wait3A_231] : memref<4x128x128xf32, #tpu.memory_space<vmem>> -> memref<1x128x128xf32, #tpu.memory_space<vmem>>
    %dma_wait3A_233 = tpu.memref_squeeze %dma_wait3A_232 : memref<1x128x128xf32, #tpu.memory_space<vmem>> -> memref<128x128xf32, #tpu.memory_space<vmem>>
    tpu.wait_dma2 semaphore(%arg14 : memref<!tpu.dma_semaphore, #tpu.memory_space<semaphore_mem>>) src(%dma_wait3A_233 : memref<128x128xf32, #tpu.memory_space<vmem>>) dst(%dma_wait3A_229 : memref<128x128xf32, #tpu.memory_space<hbm>>)
    return
  }
}

</mosaic_0001>

<sc_bundles>
// kernel: kernel.3.cloned.1.call-start
scs
__scs_entry_jumppad:
0x0: {  	(pc) =	sbr.rel $0x88, $3  }
0x1: {  	(tag) =	ssettag $0x0;
	lr =	simm.s32 $0x1  }
0x2: {  	[smem:$0x3F9F] =	sst lr;
	_ =	strace $0xD0000000  }
0x3: {  	_ = 	snop  }
0x4: {  	_ = 	snop  }
0x5: {  	_ = 	snop  }
0x6: {  	_ = 	snop  }
0x7: {  	_ = 	snop  }
__scs_overlays_trampoline_lowered:
0x8: {  	[smem:$0x3FAE] =	sst s0  }
0x9: {  	[smem:$0x3FAF] =	sst s1  }
0xa: {  	[smem:$0x3FB0] =	sst s2  }
0xb: {  	[smem:$0x3FB1] =	sst s3  }
0xc: {  	[smem:$0x3FB2] =	sst s4  }
0xd: {  	[smem:$0x3FB3] =	sst s5  }
0xe: {  	[smem:$0x3FB4] =	sst s6  }
0xf: {  	[smem:$0x3FB5] =	sst s7  }
0x10: {  	[smem:$0x3FB6] =	sst s8  }
0x11: {  	[smem:$0x3FB7] =	sst s9;
	s0 =	simm.s32 @!p0 $0x0  }
0x12: {  	s1 =	sld [smem:$0x3F9D];
	s0 =	simm.s32 @p0 $0x1  }
0x13: {  	[smem:$0x3FB8] =	sst s0;
	s0 =	simm.s32 @!p1 $0x0  }
0x14: {  	s2 =	sld [smem:$0x3F9C];
	s0 =	simm.s32 @p1 $0x1  }
0x15: {  	[smem:$0x3FB9] =	sst s0;
	s0 =	simm.s32 @!p2 $0x0  }
0x16: {  	s3 =	sld [smem:$0x3FDB];
	s0 =	simm.s32 @p2 $0x1  }
0x17: {  	s4 =	simm.s32 $0x1BF5;
	[smem:$0x3FBB] =	sst s0  }
0x18: {  	s0 =	sld [smem:$0x3F9E];
	_ =	swait.ge [sflag:s4], $0x0  }
0x19: {  	s7 =	sld [smem:$0x3F9F]  }
0x1a: {  	s8 =	sadd.s32 $0xFFFFE003, lr  }
0x1b: {  	s9 =	sadd.s32 $0xFFFFFEF7, lr;
	s5 =	simm.s32 $0xFFFFFFFF;
	p2 =	slt.u32 s8, $0xFFFFF086  }
0x1c: {  	p1 =	slt.u32 s9, $0xF7A;
	s5 =	simm.s32 @!p2 $0x0  }
0x1d: {  	s5 =	simm.s32 @p1 $0x1;
	p0 =	seq.s32 s7, s2  }
0x1e: {  	s7 =	smul.u32 @!p0 $0xF7A, s2;
	p2 =	seq.s32 @!p0 s5, $0x0  }
0x1f: {  	s9 =	smul.u32 $0xF7A, s1;
	s8 =	simm.s32 @!p0 $0x1BF5;
	p2 =	por !p2, p0  }
0x20: {  	[sflag:s8] =	ssyncset.s32 @!p0 $0xFFFFF086;
	s6 =	sadd.s32 @!p0 s3, s7;
	s7 =	simm.s32 @!p0 $0x108  }
0x21: {  	s3 =	sadd.s32 s3, s9;
	s6 =	sadd.s32 @!p0 $0x88, s6;
	s7 =	simm.s32 @p2 $0x1082  }
0x22: {  	[simem:s7], [sflag:s8] =	dma.local @!p0 [hbm:s6], $0xF7A  }
0x23: {  	s9 =	sor.u32 $0xD0000000, s2;
	s6 =	simm.s32 $0x108;
	_ =	swait.ge @!p0 [sflag:s8], $0x0  }
0x24: {  	s3 =	sadd.s32 $0x88, s3;
	s6 =	simm.s32 @!p1 $0x1082;
	[sflag:s4] =	ssyncset.s32 $0xFFFFF086  }
0x25: {  	[simem:s6], [sflag:s4] =	dma.local [hbm:s3], $0xF7A  }
0x26: {  	[smem:$0x3F9F] =	sst s1;
	(tag) =	ssettag s2;
	_ =	strace s9  }
0x27: {  	s1 =	sld [smem:$0x3FAF]  }
0x28: {  	s2 =	sld [smem:$0x3FB0]  }
0x29: {  	s4 =	sld [smem:$0x3FB2]  }
0x2a: {  	p0 =	seq.s32 s5, $0x0;
	s5 =	sld [smem:$0x3FB3]  }
0x2b: {  	s6 =	sld [smem:$0x3FB4]  }
0x2c: {  	s7 =	sld [smem:$0x3FB5]  }
0x2d: {  	s3 =	simm.s32 $0x108;
	s8 =	sld [smem:$0x3FB6]  }
0x2e: {  	s3 =	simm.s32 @!p0 $0x1082;
	s9 =	sld [smem:$0x3FB7]  }
0x2f: {  	lr =	sadd.s32 s0, s3;
	s0 =	sld [smem:$0x3FAE]  }
0x30: {  	s3 =	sld [smem:$0x3FB1]  }
0x31: {  	[smem:$0x3FBA] =	sst s10  }
0x32: {  	s10 =	sld [smem:$0x3FB8];
	_ =	sdelay $0x3  }
0x33: {  	p0 =	seq.s32 s10, $0x1;
	s10 =	sld [smem:$0x3FBA];
	_ =	sdelay $0x3  }
0x34: {  	[smem:$0x3FBA] =	sst s10  }
0x35: {  	s10 =	sld [smem:$0x3FB9];
	_ =	sdelay $0x3  }
0x36: {  	p1 =	seq.s32 s10, $0x1;
	s10 =	sld [smem:$0x3FBA];
	_ =	sdelay $0x3  }
0x37: {  	[smem:$0x3FBA] =	sst s10  }
0x38: {  	s10 =	sld [smem:$0x3FBB]  }
0x39: {  	_ = 	snop;
	(pc) =	sbr.ind lr, $3  }
0x3a: {  	_ = 	snop  }
0x3b: {  	_ = 	snop  }
0x3c: {  	p2 =	seq.s32 s10, $0x1;
	s10 =	sld [smem:$0x3FBA]  }
0x3d: {  	_ =	shalt  }
0x3e: {  	_ =	shalt  }
0x3f: {  	_ =	shalt  }
0x40: {  	_ =	shalt  }
0x41: {  	_ =	shalt  }
0x42: {  	_ =	shalt  }
0x43: {  	_ =	shalt  }
0x44: {  	_ =	shalt  }
0x45: {  	_ =	shalt  }
0x46: {  	_ =	shalt  }
0x47: {  	_ =	shalt  }
0x48: {  	_ =	shalt  }
0x49: {  	_ =	shalt  }
0x4a: {  	_ =	shalt  }
0x4b: {  	_ =	shalt  }
0x4c: {  	_ =	shalt  }
0x4d: {  	_ =	shalt  }
0x4e: {  	_ =	shalt  }
0x4f: {  	_ =	shalt  }
0x50: {  	_ =	shalt  }
0x51: {  	_ =	shalt  }
0x52: {  	_ =	shalt  }
0x53: {  	_ =	shalt  }
0x54: {  	_ =	shalt  }
0x55: {  	_ =	shalt  }
0x56: {  	_ =	shalt  }
0x57: {  	_ =	shalt  }
0x58: {  	_ =	shalt  }
0x59: {  	_ =	shalt  }
0x5a: {  	_ =	shalt  }
0x5b: {  	_ =	shalt  }
0x5c: {  	_ =	shalt  }
0x5d: {  	_ =	shalt  }
0x5e: {  	_ =	shalt  }
0x5f: {  	_ =	shalt  }
0x60: {  	_ =	shalt  }
0x61: {  	_ =	shalt  }
0x62: {  	_ =	shalt  }
0x63: {  	_ =	shalt  }
0x64: {  	_ =	shalt  }
0x65: {  	_ =	shalt  }
0x66: {  	_ =	shalt  }
0x67: {  	_ =	shalt  }
0x68: {  	_ =	shalt  }
0x69: {  	_ =	shalt  }
0x6a: {  	_ =	shalt  }
0x6b: {  	_ =	shalt  }
0x6c: {  	_ =	shalt  }
0x6d: {  	_ =	shalt  }
0x6e: {  	_ =	shalt  }
0x6f: {  	_ =	shalt  }
0x70: {  	_ =	shalt  }
0x71: {  	_ =	shalt  }
0x72: {  	_ =	shalt  }
0x73: {  	_ =	shalt  }
0x74: {  	_ =	shalt  }
0x75: {  	_ =	shalt  }
0x76: {  	_ =	shalt  }
0x77: {  	_ =	shalt  }
0x78: {  	_ =	shalt  }
0x79: {  	_ =	shalt  }
0x7a: {  	_ =	shalt  }
0x7b: {  	_ =	shalt  }
0x7c: {  	_ =	shalt  }
0x7d: {  	_ =	shalt  }
0x7e: {  	_ =	shalt  }
0x7f: {  	_ =	shalt  }
0x80: {  	_ =	shalt  }
0x81: {  	_ =	shalt  }
0x82: {  	_ =	shalt  }
0x83: {  	_ =	shalt  }
0x84: {  	_ =	shalt  }
0x85: {  	_ =	shalt  }
0x86: {  	_ =	shalt  }
0x87: {  	_ =	shalt  }
.Lfunc_end0:
.L_simem_size_0:
called_computation_lowered:
.L_overlay_start_0:
0x88: {  	s2 =	sld [smem:$0x3FD9]  }
0x89: {  	s3 =	sld [smem:$0x3FFE];
	_ =	sdelay $0x1  }
0x8a: {  	s1 =	srdreg.scid  }
0x8b: {  	s0 =	sand.u32 $0x1, s1  }
0x8c: {  	s17 =	sshll.u32 s0, $0xA;
	s2 =	sadd.s32 s3, s2  }
0x8d: {  	s2 =	sadd.s32 s2, s17  }
0x8e: {  	[smem:$0x3FC6] =	sst s2  }
0x8f: {  	_ = 	snop  }
0x90: {  	s2 =	sld [smem:$0x3FC8]  }
0x91: {  	s18 =	sld [smem:$0x3FD0];
	(tm) =	ssettm $0x1  }
0x92: {  	s4 =	sld [smem:$0x3FFB];
	_ =	sdelay $0x3  }
0x93: {  	_ =	strace s4  }
0x94: {  	s4 =	sld [smem:$0x3FFC];
	_ =	sdelay $0x3  }
0x95: {  	_ =	strace s4  }
0x96: {  	s4 =	sld [smem:$0x3FFD];
	_ =	sdelay $0x3  }
0x97: {  	_ =	strace s4  }
0x98: {  	_ =	strace $0x8FFFFFFF  }
0x99: {  	s19 =	sld [smem:$0x3FDB];
	_ =	sdelay $0x1  }
0x9a: {  	s5 =	simm.s32 $_scs_section_size  }
0x9b: {  	s6 =	simm.s32 $_size__tile_overlayer_lowered;
	s7 =	simm.s32 $_tile_overlayer_lowered  }
0x9c: {  	s22 =	simm.s32 $0x1BFF;
	s21 =	sshll.u32 s7, $0x1;
	s4 =	sadd.s32 s5, s19  }
0x9d: {  	s8 =	simm.s32 $0x0;
	s20 =	sshll.u32 s6, $0x1;
	s6 =	sadd.s32 s21, s4  }
0x9e: {  	[timem:s8], [sflag:s22] =	dma.local [hbm:s6], s20  }
0x9f: {  	_ =	swait.ge [sflag:s22], s20  }
0xa0: {  	s5 =	ssub.s32 $0x0, s20;
	[sflag:s22] =	ssyncset.done $0x0  }
0xa1: {  	[sflag:s22] =	ssyncadd.s32 s5;
	_ =	sdelay $0x1  }
0xa2: {  	s23 =	simm.s32 $0x1B8B  }
0xa3: {  	_ =	swait.ge [sflag:s23], $0x1  }
0xa4: {  	[sflag:s23] =	ssyncset.done $0x0  }
0xa5: {  	s25 =	simm.s32 $0x1B8E;
	s24 =	sld [smem:$0x3FFE];
	[sflag:s23] =	ssyncadd.s32 $0xFFFFFFFF  }
0xa6: {  	s26 =	simm.s32 $execute0_lowered;
	[smem:$0x3FD2] =	sst s25  }
0xa7: {  	s6 =	sshll.u32 s26, $0x1;
	_ =	strace $0x80000046;
	[dreg:$0x1] =	wrdreg $0xFFFFFFFF  }
0xa8: {  	s28 =	simm.s32 $_size_execute0_lowered;
	s4 =	sadd.s32 s4, s6;
	[dreg:$0x0] =	wrdreg $0x0  }
0xa9: {  	s6 =	sshll.u32 s28, $0x1;
	[dreg:$0x2] =	wrdreg s4  }
0xaa: {  	[dreg:$0x3] =	wrdreg s6  }
0xab: {  	[dreg:$0x4] =	wrdreg $0xC0  }
0xac: {  	_ =	task [dreg:s8], $0x5FFFF  }
0xad: {  	[dreg:$0x1] =	wrdreg $0xFFFFFFFF  }
0xae: {  	[dreg:$0x0] =	wrdreg $0x60  }
0xaf: {  	[dreg:$0x2] =	wrdreg s24  }
0xb0: {  	[dreg:$0x3] =	wrdreg s2  }
0xb1: {  	[dreg:$0x4] =	wrdreg s18  }
0xb2: {  	[dreg:$0x5] =	wrdreg $0x9  }
0xb3: {  	_ =	task.clear_ibuf [dreg:s8], $0x6FFFF;
	_ =	strace $0x90000046  }
0xb4: {  	s29 =	simm.s32 $0x9;
	_ =	strace $0x80000048  }
0xb5: {  	_ =	swait.ge [sflag:s29], $0x1  }
0xb6: {  	[sflag:s29] =	ssyncadd.s32 $0xFFFFFFFF  }
0xb7: {  	_ =	strace $0x90000048  }
0xb8: {  	_ =	sfence  }
0xb9: {  	s30 =	sld [smem:$0x0];
	_ =	sdelay $0x2  }
0xba: {  	s31 =	sshll.u32 s1, $0xD;
	s1 =	sshrl.u32 s1, $0x2  }
0xbb: {  	s3 =	sand.u32 $0x4000, s31;
	s1 =	sadd.s32 s1, s30  }
0xbc: {  	s0 =	sor.u32 s3, s0;
	s1 =	sshll.u32 s1, $0x11  }
0xbd: {  	s0 =	sor.u32 s1, s0  }
0xbe: {  	s0 =	sadd.s32 $0x8F2B, s0  }
0xbf: {  	[sflag:s0] =	ssyncadd.remote.s32 $0x1  }
0xc0: {  	_ =	sfence.sel $0xFFFF  }
0xc1: {  	[dreg:$0x0] =	wrdreg $0xFFFFFFFF;
	(pc) =	sbr.abs _section_cstart, $3  }
0xc2: {  	[dreg:$0x1] =	wrdreg $0xFFFFFFFF  }
0xc3: {  	_ =	task.clear_ibuf [dreg:s8], $0x2FFFF;
	_ =	strace $0x9FFFFFFF  }
0xc4: {  	(tm) =	ssettm $0x7FFFFFFF  }
0xc5: {  	_ =	shalt  }
tec
execute0_lowered:
.L_overlay_start_1:
0x0: {  	(tag) =	ssettag $0x1  }
0x1: {  	s4 =	rddreg [dreg:$0x0]  }
0x2: {  	s1 =	srdreg.scid;
	s2 =	rddreg [dreg:$0x1]  }
0x3: {  	s0 =	stileid.u32;
	s11 =	rddreg [dreg:$0x2];
	s14 =	simm.s32 $0x6400  }
0x4: {  	s15 =	simm.s32 $0xA400;
	s17 =	simm.s32 $0xE400;
	s18 =	simm.s32 $0x180  }
0x5: {  	s19 =	simm.s32 $0x12400;
	s20 =	simm.s32 $0x1;
	s21 =	simm.s32 $0x2  }
0x6: {  	s22 =	simm.s32 $0x3;
	s23 =	simm.s32 $0x4;
	s24 =	simm.s32 $0x5  }
0x7: {  	s25 =	simm.s32 $0x6;
	s26 =	simm.s32 $0x7;
	s8 =	smul.u32 $0x640000, s0  }
0x8: {  	s1 =	sand.u32 $0x1, s1;
	s3 =	sshll.u32 s0, $0x1;
	s13 =	smul.u32 $0xC8000, s0  }
0x9: {  	s28 =	simm.s32 $0x8;
	s5 =	sor.u32 s1, s3;
	s12 =	smul.u32 $0x320000, s1  }
0xa: {  	s3 =	simm.s32 $0x0;
	s30 =	ssub.s32 $0x2, s1;
	s1 =	smul.u32 $0x64000, s1  }
0xb: {  	s29 =	simm.s32 $0x0;
	s6 =	smul.u32 $0x6400, s5;
	[smem:$0x7FF] =	sst s3  }
0xc: {  	s5 =	smul.u32 $0x320000, s5;
	s7 =	sshrl.u32 s30, $0x1;
	_ =	strace $0x80000047  }
0xd: {  	s9 =	ssub.s32 s30, s7;
	s12 =	sadd.s32 s12, s8;
	s6 =	sshrl.u32 s6, $0x3  }
0xe: {  	s5 =	sshrl.u32 s5, $0x3;
	s31 =	sshrl.u32 s12, $0x3;
	s9 =	smax.u32 s9, $0x1  }
0xf: {  	s12 =	simm.s32 $0x9;
	s4 =	sadd.s32 s6, s4;
	s10 =	sadd.s32 s11, s5  }
0x10: {  	s5 =	sadd.s32 $0x62000, s10;
	s6 =	sadd.s32 $0x62800, s10;
	s7 =	sadd.s32 $0x63000, s10  }
0x11: {  	s8 =	sadd.s32 $0x63800, s10;
	s10 =	sadd.s32 s31, s11;
	s11 =	sadd.s32 s13, s11  }
0x12: {  	s4 =	sadd.s32 $0x400, s4;
	s13 =	simm.s32 $0x80;
	s11 =	sadd.s32 s1, s11  }
.LBB2_1:
0x13: {  	[tilespmem:s3], [sflag:$0x9] =	stream.linear.gather [hbm4b:s4+s3], $0x6400, $0x38;
	[tilespmem:$0x16400] =	vst v63  }
0x14: {  	_ =	swait.ge [sflag:s12], $0x6400  }
0x15: {  	[sflag:s12] =	ssyncset.done $0x0  }
0x16: {  	[sflag:s12] =	ssyncadd.s32 $0xFFFF9C00  }
0x17: {  	[tilespmem:s14], [sflag:$0x1] =	stream.indirect.gather [hbm4b:s2+s13], $0x80, s3, s13, $0xb8;
	[tilespmem:$0x16400] =	vst v63  }
0x18: {  	_ = 	snop  }
0x19: {  	[tilespmem:s15], [sflag:$0x2] =	stream.indirect.gather [hbm4b:s2+s13], $0x80, s13, s13, $0xb8;
	[tilespmem:$0x16400] =	vst v63  }
0x1a: {  	s0 =	simm.s32 $0x100  }
0x1b: {  	[tilespmem:s17], [sflag:$0x3] =	stream.indirect.gather [hbm4b:s2+s13], $0x80, s0, s13, $0xb8;
	[tilespmem:$0x16400] =	vst v63  }
0x1c: {  	_ = 	snop  }
0x1d: {  	[tilespmem:s19], [sflag:$0x4] =	stream.indirect.gather [hbm4b:s2+s13], $0x80, s18, s13, $0xb8;
	[tilespmem:$0x16400] =	vst v63  }
0x1e: {  	_ =	swait.ge [sflag:s20], $0x4000  }
0x1f: {  	[sflag:s20] =	ssyncset.done $0x0  }
0x20: {  	s1 =	sadd.s32 $0x0, s10;
	[sflag:s20] =	ssyncadd.s32 $0xFFFFC000  }
0x21: {  	[hbm4b:s1+s3] =	stream.linear.scatter [tilespmem:s14], [sflag:$0x5], $0x4000, $0x38;
	[tilespmem:$0x16400] =	vst v63  }
0x22: {  	_ =	swait.ge [sflag:s21], $0x4000  }
0x23: {  	s0 =	sadd.s32 $0x0, s11;
	[sflag:s21] =	ssyncset.done $0x0  }
0x24: {  	s30 =	sadd.s32 $0x800, s0;
	[sflag:s21] =	ssyncadd.s32 $0xFFFFC000  }
0x25: {  	[hbm4b:s30+s3] =	stream.linear.scatter [tilespmem:s15], [sflag:$0x6], $0x4000, $0x38;
	[tilespmem:$0x16400] =	vst v63  }
0x26: {  	_ =	swait.ge [sflag:s22], $0x4000  }
0x27: {  	[sflag:s22] =	ssyncset.done $0x0  }
0x28: {  	s30 =	sadd.s32 $0x1000, s0;
	[sflag:s22] =	ssyncadd.s32 $0xFFFFC000  }
0x29: {  	[hbm4b:s30+s3] =	stream.linear.scatter [tilespmem:s17], [sflag:$0x7], $0x4000, $0x38;
	[tilespmem:$0x16400] =	vst v63  }
0x2a: {  	_ =	swait.ge [sflag:s23], $0x4000  }
0x2b: {  	[sflag:s23] =	ssyncset.done $0x0  }
0x2c: {  	s1 =	sadd.s32 $0x1800, s0;
	[sflag:s23] =	ssyncadd.s32 $0xFFFFC000  }
0x2d: {  	[hbm4b:s1+s3] =	stream.linear.scatter [tilespmem:s19], [sflag:$0x8], $0x4000, $0x38;
	[tilespmem:$0x16400] =	vst v63  }
0x2e: {  	_ =	swait.ge [sflag:s24], $0x4000  }
0x2f: {  	[sflag:s24] =	ssyncset.done $0x0  }
0x30: {  	s16 =	simm.s32 $0x200;
	[sflag:s24] =	ssyncadd.s32 $0xFFFFC000  }
0x31: {  	[tilespmem:s14], [sflag:$0x1] =	stream.indirect.gather [hbm4b:s2+s13], $0x80, s16, s13, $0xb8;
	[tilespmem:$0x16400] =	vst v63  }
0x32: {  	_ =	swait.ge [sflag:s25], $0x4000  }
0x33: {  	[sflag:s25] =	ssyncset.done $0x0  }
0x34: {  	s0 =	simm.s32 $0x280;
	[sflag:s25] =	ssyncadd.s32 $0xFFFFC000  }
0x35: {  	[tilespmem:s15], [sflag:$0x2] =	stream.indirect.gather [hbm4b:s2+s13], $0x80, s0, s13, $0xb8;
	[tilespmem:$0x16400] =	vst v63  }
0x36: {  	_ =	swait.ge [sflag:s26], $0x4000  }
0x37: {  	[sflag:s26] =	ssyncset.done $0x0  }
0x38: {  	s16 =	simm.s32 $0x300;
	[sflag:s26] =	ssyncadd.s32 $0xFFFFC000  }
0x39: {  	[tilespmem:s17], [sflag:$0x3] =	stream.indirect.gather [hbm4b:s2+s13], $0x80, s16, s13, $0xb8;
	[tilespmem:$0x16400] =	vst v63  }
0x3a: {  	_ =	swait.ge [sflag:s28], $0x4000  }
0x3b: {  	s31 =	simm.s32 $0x2000;
	[sflag:s28] =	ssyncset.done $0x0  }
0x3c: {  	s30 =	simm.s32 $0x380;
	s1 =	simm.s32 $0x580;
	[sflag:s28] =	ssyncadd.s32 $0xFFFFC000  }
.LBB2_2:
0x3d: {  	[tilespmem:s19], [sflag:$0x4] =	stream.indirect.gather [hbm4b:s2+s13], $0x80, s30, s13, $0xb8;
	[tilespmem:$0x16400] =	vst v63  }
0x3e: {  	s0 =	smov.u32 s31;
	s30 =	smov.u32 s1  }
0x3f: {  	p0 =	sne.s32 s31, $0x60000;
	s31 =	sadd.s32 $0x2000, s31;
	_ =	swait.ge [sflag:s20], $0x4000  }
0x40: {  	[sflag:s20] =	ssyncset.done $0x0  }
0x41: {  	s16 =	sadd.s32 s0, s10;
	[sflag:s20] =	ssyncadd.s32 $0xFFFFC000  }
0x42: {  	[hbm4b:s16+s3] =	stream.linear.scatter [tilespmem:s14], [sflag:$0x5], $0x4000, $0x38;
	[tilespmem:$0x16400] =	vst v63  }
0x43: {  	_ =	swait.ge [sflag:s21], $0x4000  }
0x44: {  	s0 =	sadd.s32 s0, s11;
	[sflag:s21] =	ssyncset.done $0x0  }
0x45: {  	s16 =	sadd.s32 $0x800, s0;
	[sflag:s21] =	ssyncadd.s32 $0xFFFFC000  }
0x46: {  	[hbm4b:s16+s3] =	stream.linear.scatter [tilespmem:s15], [sflag:$0x6], $0x4000, $0x38;
	[tilespmem:$0x16400] =	vst v63  }
0x47: {  	_ =	swait.ge [sflag:s22], $0x4000  }
0x48: {  	[sflag:s22] =	ssyncset.done $0x0  }
0x49: {  	s16 =	sadd.s32 $0x1000, s0;
	[sflag:s22] =	ssyncadd.s32 $0xFFFFC000  }
0x4a: {  	[hbm4b:s16+s3] =	stream.linear.scatter [tilespmem:s17], [sflag:$0x7], $0x4000, $0x38;
	[tilespmem:$0x16400] =	vst v63  }
0x4b: {  	_ =	swait.ge [sflag:s23], $0x4000  }
0x4c: {  	[sflag:s23] =	ssyncset.done $0x0  }
0x4d: {  	s0 =	sadd.s32 $0x1800, s0;
	[sflag:s23] =	ssyncadd.s32 $0xFFFFC000  }
0x4e: {  	[hbm4b:s0+s3] =	stream.linear.scatter [tilespmem:s19], [sflag:$0x8], $0x4000, $0x38;
	[tilespmem:$0x16400] =	vst v63  }
0x4f: {  	_ =	swait.ge [sflag:s24], $0x4000  }
0x50: {  	[sflag:s24] =	ssyncset.done $0x0  }
0x51: {  	s0 =	sadd.s32 $0xFFFFFE80, s1;
	[sflag:s24] =	ssyncadd.s32 $0xFFFFC000  }
0x52: {  	[tilespmem:s14], [sflag:$0x1] =	stream.indirect.gather [hbm4b:s2+s13], $0x80, s0, s13, $0xb8;
	[tilespmem:$0x16400] =	vst v63  }
0x53: {  	_ =	swait.ge [sflag:s25], $0x4000  }
0x54: {  	[sflag:s25] =	ssyncset.done $0x0  }
0x55: {  	s0 =	sadd.s32 $0xFFFFFF00, s1;
	[sflag:s25] =	ssyncadd.s32 $0xFFFFC000  }
0x56: {  	[tilespmem:s15], [sflag:$0x2] =	stream.indirect.gather [hbm4b:s2+s13], $0x80, s0, s13, $0xb8;
	[tilespmem:$0x16400] =	vst v63  }
0x57: {  	_ =	swait.ge [sflag:s26], $0x4000  }
0x58: {  	[sflag:s26] =	ssyncset.done $0x0  }
.Ltmp0:
0x59: {  	s0 =	sadd.s32 $0xFFFFFF80, s1;
	[sflag:s26] =	ssyncadd.s32 $0xFFFFC000;
	(pc) =	sbr.rel @p0 .LBB2_2-.Ltmp0, $4  }
0x5a: {  	[tilespmem:s17], [sflag:$0x3] =	stream.indirect.gather [hbm4b:s2+s13], $0x80, s0, s13, $0xb8;
	[tilespmem:$0x16400] =	vst v63  }
0x5b: {  	_ =	swait.ge [sflag:s28], $0x4000  }
0x5c: {  	[sflag:s28] =	ssyncset.done $0x0  }
0x5d: {  	s1 =	sadd.s32 $0x200, s1;
	[sflag:s28] =	ssyncadd.s32 $0xFFFFC000  }
0x5e: {  	[tilespmem:s19], [sflag:$0x4] =	stream.indirect.gather [hbm4b:s2+s13], $0x80, s30, s13, $0xb8;
	[tilespmem:$0x16400] =	vst v63  }
0x5f: {  	_ =	swait.ge [sflag:s20], $0x4000  }
0x60: {  	[sflag:s20] =	ssyncset.done $0x0  }
0x61: {  	[sflag:s20] =	ssyncadd.s32 $0xFFFFC000  }
0x62: {  	[hbm4b:s5+s3] =	stream.linear.scatter [tilespmem:s14], [sflag:$0x5], $0x4000, $0x38;
	[tilespmem:$0x16400] =	vst v63  }
0x63: {  	_ =	swait.ge [sflag:s21], $0x4000  }
0x64: {  	[sflag:s21] =	ssyncset.done $0x0  }
0x65: {  	[sflag:s21] =	ssyncadd.s32 $0xFFFFC000  }
0x66: {  	[hbm4b:s6+s3] =	stream.linear.scatter [tilespmem:s15], [sflag:$0x6], $0x4000, $0x38;
	[tilespmem:$0x16400] =	vst v63  }
0x67: {  	_ =	swait.ge [sflag:s22], $0x4000  }
0x68: {  	[sflag:s22] =	ssyncset.done $0x0  }
0x69: {  	[sflag:s22] =	ssyncadd.s32 $0xFFFFC000  }
0x6a: {  	[hbm4b:s7+s3] =	stream.linear.scatter [tilespmem:s17], [sflag:$0x7], $0x4000, $0x38;
	[tilespmem:$0x16400] =	vst v63  }
0x6b: {  	_ =	swait.ge [sflag:s23], $0x4000  }
0x6c: {  	[sflag:s23] =	ssyncset.done $0x0  }
0x6d: {  	[sflag:s23] =	ssyncadd.s32 $0xFFFFC000  }
0x6e: {  	[hbm4b:s8+s3] =	stream.linear.scatter [tilespmem:s19], [sflag:$0x8], $0x4000, $0x38;
	[tilespmem:$0x16400] =	vst v63  }
0x6f: {  	_ =	swait.ge [sflag:s24], $0x4000  }
0x70: {  	[sflag:s24] =	ssyncset.done $0x0  }
0x71: {  	[sflag:s24] =	ssyncadd.s32 $0xFFFFC000  }
0x72: {  	_ =	swait.ge [sflag:s25], $0x4000  }
0x73: {  	[sflag:s25] =	ssyncset.done $0x0  }
0x74: {  	s29 =	sadd.s32 $0x1, s29;
	[sflag:s25] =	ssyncadd.s32 $0xFFFFC000  }
0x75: {  	p0 =	sne.s32 s29, s9;
	_ =	swait.ge [sflag:s26], $0x4000  }
.Ltmp1:
0x76: {  	[sflag:s26] =	ssyncset.done $0x0;
	(pc) =	sbr.rel @p0 .LBB2_1-.Ltmp1, $4  }
0x77: {  	[sflag:s26] =	ssyncadd.s32 $0xFFFFC000  }
0x78: {  	_ =	swait.ge [sflag:s28], $0x4000  }
0x79: {  	[sflag:s28] =	ssyncset.done $0x0  }
0x7a: {  	[sflag:s28] =	ssyncadd.s32 $0xFFFFC000  }
0x7b: {  	_ =	sfence.sel $0x180000  }
0x7c: {  	[bflag:$0x0] =	sbarrier.arrive $0xFFFF  }
0x7d: {  	_ =	strace $0x90000047  }
0x7e: {  	s0 =	stileid.u32;
	[bflag:$0x2] =	sbarrier.arrive $0xFFFF  }
0x7f: {  	p0 =	sne.s32 s0, $0x0;
	s0 =	rddreg [dreg:$0x3]  }
0x80: {  	s0 =	sadd.s32 @!p0 $0x100000, s0  }
0x81: {  	[sflag:s0] =	ssyncadd.tile.s32 @!p0 $0x1;
	_ =	shalt  }
.Lfunc_end2:
_tile_overlayer_lowered:
.L_overlay_start_2:
0x82: {  	(tag) =	ssettag $0x2  }
0x83: {  	s0 =	rddreg [dreg:$0x0];
	s2 =	stileid.u32  }
0x84: {  	s1 =	rddreg [dreg:$0x1];
	p0 =	sne.s32 s2, $0x0  }
0x85: {  	s3 =	rddreg [dreg:$0x2];
	[bflag:$0x3] =	sbarrier.arrive $0xFFFF;
	s2 =	simm.s32 @!p0 $0x1C09  }
0x86: {  	[timem:s3], [sflag:s2] =	dma.local @!p0 [hbm:s0], s1  }
0x87: {  	s0 =	simm.s32 @!p0 $0x9  }
0x88: {  	_ =	swait.ge @!p0 [sflag:s0], s1  }
0x89: {  	s1 =	ssub.s32 @!p0 $0x0, s1;
	[sflag:s0] =	ssyncset.done @!p0 $0x0  }
0x8a: {  	[sflag:s0] =	ssyncadd.s32 @!p0 s1  }
0x8b: {  	[bflag:$0x3] =	sbarrier.arrive $0xFFFF  }
0x8c: {  	_ =	shalt  }

</sc_bundles>
